<compile_context>
chip_gen: v7x
topology: tpu7x:2x2x1
jax: 0.10.2.dev20260603
libtpu: 0.0.44.dev20260713+nightly
codegen_flags: <defaults>
</compile_context>

<pallas_src>
import functools

import jax
import jax.numpy as jnp
from jax import lax
from jax.experimental import pallas as pl
from jax.experimental.pallas import tpu as pltpu
from jax.experimental.pallas import tpu_sc as plsc

N = 10000
D = 128
E = 320000
EPS = 1e-5

NC = 2
NS = 16
NW = NC * NS
B = 128
NBLK = -(-E // (NW * B))
EPW = NBLK * B
EPAD = EPW * NW
NPAD = 10240
RPT = NPAD // NS
GARBAGE = NPAD - N

_mesh = plsc.VectorSubcoreMesh(
    core_axis_name="c", subcore_axis_name="s", num_cores=NC, num_subcores=NS
)


@functools.partial(
    pl.kernel,
    out_type=jax.ShapeDtypeStruct((NC, NPAD, 16), jnp.float32),
    mesh=_mesh,
    scratch_types=[
        pltpu.VMEM((NBLK, B), jnp.int32),
        pltpu.VMEM((B, 16), jnp.float32),
        pltpu.VMEM((B, 16), jnp.float32),
        pltpu.VMEM_SHARED((NPAD, 16), jnp.float32),
    ],
)
def _deg_kernel(dst_hbm, degp_hbm, idx_v, ones_v, zb_v, deg_sh):
    c = lax.axis_index("c")
    s = lax.axis_index("s")
    wid = c * NS + s

    @pl.loop(0, B)
    def _fill(i):
        ones_v[i] = jnp.ones((16,), jnp.float32)
        zb_v[i] = jnp.zeros((16,), jnp.float32)

    base = s * RPT

    @pl.loop(0, RPT // B)
    def _zero(j):
        pltpu.sync_copy(zb_v, deg_sh.at[pl.ds(base + j * B, B)])

    plsc.subcore_barrier()
    pltpu.sync_copy(dst_hbm.at[wid], idx_v)

    @pl.loop(0, NBLK)
    def _acc(j):
        pltpu.sync_copy(ones_v, deg_sh.at[idx_v.at[j]], add=True)

    plsc.subcore_barrier()
    pltpu.sync_copy(deg_sh.at[pl.ds(base, RPT)], degp_hbm.at[c, pl.ds(base, RPT)])


@functools.partial(
    pl.kernel,
    out_type=jax.ShapeDtypeStruct((NC, NPAD, D), jnp.float32),
    mesh=_mesh,
    scratch_types=[
        pltpu.VMEM((NBLK, B), jnp.int32),
        pltpu.VMEM((NBLK, B), jnp.int32),
        pltpu.VMEM((B, D), jnp.float32),
        pltpu.VMEM_SHARED((NPAD, D), jnp.float32),
    ],
)
def _edge_kernel(hp_hbm, src_hbm, dst_hbm, accp_hbm, isrc_v, idst_v, rows_v, acc_sh):
    c = lax.axis_index("c")
    s = lax.axis_index("s")
    wid = c * NS + s

    @pl.loop(0, B)
    def _fill(i):
        for k in range(D // 16):
            rows_v[i, pl.ds(k * 16, 16)] = jnp.zeros((16,), jnp.float32)

    base = s * RPT

    @pl.loop(0, RPT // B)
    def _zero(j):
        pltpu.sync_copy(rows_v, acc_sh.at[pl.ds(base + j * B, B)])

    plsc.subcore_barrier()
    pltpu.sync_copy(src_hbm.at[wid], isrc_v)
    pltpu.sync_copy(dst_hbm.at[wid], idst_v)

    @pl.loop(0, NBLK)
    def _acc(j):
        pltpu.sync_copy(hp_hbm.at[isrc_v.at[j]], rows_v)
        pltpu.sync_copy(rows_v, acc_sh.at[idst_v.at[j]], add=True)

    plsc.subcore_barrier()
    pltpu.sync_copy(acc_sh.at[pl.ds(base, RPT)], accp_hbm.at[c, pl.ds(base, RPT)])


R = 2000
GRID = N // R


def _tc_first_body(degp_ref, x_ref, w_ref, dis_ref, hp_ref):
    deg = degp_ref[0, :, 0:1] + degp_ref[1, :, 0:1] + 1.0
    dis = lax.rsqrt(deg)
    dis_ref[...] = dis
    h = jnp.dot(x_ref[...], w_ref[...], preferred_element_type=jnp.float32)
    hp_ref[...] = h * dis


_tc_first = pl.pallas_call(
    _tc_first_body,
    grid=(GRID,),
    in_specs=[
        pl.BlockSpec((NC, R, 16), lambda i: (0, i, 0)),
        pl.BlockSpec((R, D), lambda i: (i, 0)),
        pl.BlockSpec((D, D), lambda i: (0, 0)),
    ],
    out_specs=[
        pl.BlockSpec((R, 1), lambda i: (i, 0)),
        pl.BlockSpec((R, D), lambda i: (i, 0)),
    ],
    out_shape=[
        jax.ShapeDtypeStruct((N, 1), jnp.float32),
        jax.ShapeDtypeStruct((N, D), jnp.float32),
    ],
)


def _tc_layer_body(accp_ref, hp_ref, dis_ref, b_ref, g_ref, be_ref, m_ref, v_ref,
                   w_ref, out_ref):
    dis = dis_ref[...]
    t = (accp_ref[0] + accp_ref[1] + hp_ref[...]) * dis + b_ref[...]
    t = (t - m_ref[...]) * lax.rsqrt(v_ref[...] + EPS) * g_ref[...] + be_ref[...]
    t = jnp.maximum(t, 0.0)
    out_ref[...] = jnp.dot(t, w_ref[...], preferred_element_type=jnp.float32) * dis


_vec = pl.BlockSpec((1, D), lambda i: (0, 0))
_mat = pl.BlockSpec((D, D), lambda i: (0, 0))
_rowblk = pl.BlockSpec((R, D), lambda i: (i, 0))
_accblk = pl.BlockSpec((NC, R, D), lambda i: (0, i, 0))
_disblk = pl.BlockSpec((R, 1), lambda i: (i, 0))

_tc_layer = pl.pallas_call(
    _tc_layer_body,
    grid=(GRID,),
    in_specs=[_accblk, _rowblk, _disblk, _vec, _vec, _vec, _vec, _vec, _mat],
    out_specs=_rowblk,
    out_shape=jax.ShapeDtypeStruct((N, D), jnp.float32),
)


def _tc_final_body(accp_ref, hp_ref, dis_ref, b_ref, wm1_ref, bm1_ref,
                   wm2_ref, bm2_ref, out_ref):
    t = (accp_ref[0] + accp_ref[1] + hp_ref[...]) * dis_ref[...] + b_ref[...]
    z = jnp.dot(t, wm1_ref[...], preferred_element_type=jnp.float32) + bm1_ref[...]
    z = jnp.maximum(z, 0.0)
    out_ref[...] = jnp.dot(z, wm2_ref[...], preferred_element_type=jnp.float32) + bm2_ref[...]


_tc_final = pl.pallas_call(
    _tc_final_body,
    grid=(GRID,),
    in_specs=[_accblk, _rowblk, _disblk, _vec, _mat, _vec, _mat, _vec],
    out_specs=_rowblk,
    out_shape=jax.ShapeDtypeStruct((N, D), jnp.float32),
)


def kernel(x, edge_index, W0, b0, g0, be0, m0, v0, W1, b1, g1, be1, m1, v1,
           W2, b2, Wm1, bm1, Wm2, bm2):
    src = edge_index[0].astype(jnp.int32)
    dst = edge_index[1].astype(jnp.int32)
    npad = EPAD - E
    ar = jnp.arange(npad, dtype=jnp.int32)
    src_p = jnp.concatenate([src, (ar * 131) % N]).reshape(NW, NBLK, B)
    dst_p = jnp.concatenate([dst, N + ar % GARBAGE]).reshape(NW, NBLK, B)

    r1 = lambda a: a.reshape(1, D)
    degp = _deg_kernel(dst_p)
    dis, h0p = _tc_first(degp, x, W0)
    acc0 = _edge_kernel(h0p, src_p, dst_p)
    h1p = _tc_layer(acc0, h0p, dis, r1(b0), r1(g0), r1(be0), r1(m0), r1(v0), W1)
    acc1 = _edge_kernel(h1p, src_p, dst_p)
    h2p = _tc_layer(acc1, h1p, dis, r1(b1), r1(g1), r1(be1), r1(m1), r1(v1), W2)
    acc2 = _edge_kernel(h2p, src_p, dst_p)
    return _tc_final(acc2, h2p, dis, r1(b2), Wm1, r1(bm1), Wm2, r1(bm2))

# --- scband reference (transcript-rebuilt; emitter-appended) ---
"""Pipeline reference for scband-custom-gcn-22643067585139 (READ-ONLY COPY).

The authoritative reference and input builder live on the scoring server;
editing this copy changes nothing except your own understanding.
"""

import jax, jax.numpy as jnp
import numpy as np

N = 10000
E = 320000
D = 128
EPS = 1e-5


def _gcn_conv(x, src, dst, W, b):
    n = x.shape[0]
    loop = jnp.arange(n, dtype=src.dtype)
    s = jnp.concatenate([src, loop])
    d = jnp.concatenate([dst, loop])
    h = x @ W
    deg = jnp.zeros((n,), dtype=x.dtype).at[d].add(1.0)
    dis = jnp.where(deg > 0, jax.lax.rsqrt(deg), 0.0)
    norm = dis[s] * dis[d]
    msg = h[s] * norm[:, None]
    out = jnp.zeros_like(h).at[d].add(msg)
    return out + b


def _bn(x, g, b, m, v):
    # BatchNorm1d in eval mode: running stats
    return (x - m) * jax.lax.rsqrt(v + EPS) * g + b


def setup_inputs(seed: int = 0):
    key = jax.random.key(seed)
    ks = jax.random.split(key, 16)
    sc = 0.05
    inp = {}
    inp['x'] = jax.random.normal(ks[0], (N, D), dtype=jnp.float32)
    inp['edge_index'] = jax.random.randint(ks[1], (2, E), 0, N)
    inp['W0'] = jax.random.normal(ks[2], (D, D), dtype=jnp.float32) * sc
    inp['b0'] = jnp.zeros((D,), jnp.float32)
    inp['g0'] = jnp.ones((D,), jnp.float32)
    inp['be0'] = jnp.zeros((D,), jnp.float32)
    inp['m0'] = jnp.zeros((D,), jnp.float32)
    inp['v0'] = jnp.ones((D,), jnp.float32)
    inp['W1'] = jax.random.normal(ks[3], (D, D), dtype=jnp.float32) * sc
    inp['b1'] = jnp.zeros((D,), jnp.float32)
    inp['g1'] = jnp.ones((D,), jnp.float32)
    inp['be1'] = jnp.zeros((D,), jnp.float32)
    inp['m1'] = jnp.zeros((D,), jnp.float32)
    inp['v1'] = jnp.ones((D,), jnp.float32)
    inp['W2'] = jax.random.normal(ks[4], (D, D), dtype=jnp.float32) * sc
    inp['b2'] = jnp.zeros((D,), jnp.float32)
    inp['Wm1'] = jax.random.normal(ks[5], (D, D), dtype=jnp.float32) * sc
    inp['bm1'] = jnp.zeros((D,), jnp.float32)
    inp['Wm2'] = jax.random.normal(ks[6], (D, D), dtype=jnp.float32) * sc
    inp['bm2'] = jnp.zeros((D,), jnp.float32)
    return inp


def reference(x, edge_index, W0, b0, g0, be0, m0, v0, W1, b1, g1, be1, m1, v1, W2, b2, Wm1, bm1, Wm2, bm2):
    src, dst = edge_index[0], edge_index[1]
    h = _gcn_conv(x, src, dst, W0, b0)
    h = jax.nn.relu(_bn(h, g0, be0, m0, v0))
    h = _gcn_conv(h, src, dst, W1, b1)
    h = jax.nn.relu(_bn(h, g1, be1, m1, v1))
    h = _gcn_conv(h, src, dst, W2, b2)
    h = jax.nn.relu(h @ Wm1 + bm1)
    return h @ Wm2 + bm2

if __name__ == "__main__":
    import jax
    _d = setup_inputs()
    print(jax.jit(kernel)(*tuple(_d.values())))

</pallas_src>

<mosaic_0001>
#map = affine_map<(d0, d1) -> (0, 0, 0)>
module attributes {stable_mosaic.version = 14 : i64} {
  func.func @_deg_kernel(%arg0: i32, %arg1: i32, %arg2: memref<32x79x128xi32, #tpu.memory_space<hbm>>, %arg3: memref<2x10240x16xf32, #tpu.memory_space<hbm>>, %arg4: memref<79x128xi32, #tpu.memory_space<vmem>>, %arg5: memref<128x16xf32, #tpu.memory_space<vmem>>, %arg6: memref<128x16xf32, #tpu.memory_space<vmem>>, %arg7: memref<10240x16xf32, #tpu.memory_space<vmem_shared>>) attributes {dimension_semantics = [#tpu.dimension_semantics<core_parallel>, #tpu.dimension_semantics<subcore_parallel>], iteration_bounds = array<i64: 2, 16>, scalar_prefetch = 0 : i64, scratch_operands = 4 : i64, tpu.core_type = #tpu.core_type<sc_vector_subcore>, window_params = [{transform_indices = #map}, {transform_indices = #map}]} {
    %mul3A = arith.constant 16 : i32
    %mul3A_0 = arith.muli %arg0, %mul3A : i32
    %add3A = arith.addi %mul3A_0, %arg1 : i32
    %scan3A = arith.constant 0 : i32
    %scan3A_1 = arith.constant 128 : i32
    %scan3A_2 = arith.addi %scan3A, %scan3A_1 : i32
    %scan3A_3 = arith.constant 1 : i32
    scf.for %scan3A_18 = %scan3A to %scan3A_2 step %scan3A_3  : i32 {
      %mul3A_19 = arith.constant 1 : i32
      %mul3A_20 = arith.muli %scan3A_18, %mul3A_19 : i32
      %add3A_21 = arith.constant 0 : i32
      %add3A_22 = arith.addi %add3A_21, %mul3A_20 : i32
      %broadcast_in_dim3A = arith.constant 1.000000e+00 : f32
      %broadcast_in_dim3A_23 = vector.broadcast %broadcast_in_dim3A : f32 to vector<16xf32>
      %swap3A = arith.index_cast %add3A_22 : i32 to index
      %swap3A_24 = arith.constant 0 : index
      %swap3A_25 = tpu.vector_load %arg5[%swap3A, %swap3A_24] {strides = array<i32>} : memref<128x16xf32, #tpu.memory_space<vmem>>, vector<1x16xf32>,
      %swap3A_26 = vector.shape_cast %swap3A_25 : vector<1x16xf32> to vector<16xf32>
      %swap3A_27 = vector.shape_cast %broadcast_in_dim3A_23 : vector<16xf32> to vector<1x16xf32>
      tpu.vector_store %arg5[%swap3A, %swap3A_24], %swap3A_27 {strides = array<i32>} : memref<128x16xf32, #tpu.memory_space<vmem>>, vector<1x16xf32>,
      %broadcast_in_dim3A_28 = arith.constant 0.000000e+00 : f32
      %broadcast_in_dim3A_29 = vector.broadcast %broadcast_in_dim3A_28 : f32 to vector<16xf32>
      %swap3A_30 = arith.index_cast %add3A_22 : i32 to index
      %swap3A_31 = arith.constant 0 : index
      %swap3A_32 = tpu.vector_load %arg6[%swap3A_30, %swap3A_31] {strides = array<i32>} : memref<128x16xf32, #tpu.memory_space<vmem>>, vector<1x16xf32>,
      %swap3A_33 = vector.shape_cast %swap3A_32 : vector<1x16xf32> to vector<16xf32>
      %swap3A_34 = vector.shape_cast %broadcast_in_dim3A_29 : vector<16xf32> to vector<1x16xf32>
      tpu.vector_store %arg6[%swap3A_30, %swap3A_31], %swap3A_34 {strides = array<i32>} : memref<128x16xf32, #tpu.memory_space<vmem>>, vector<1x16xf32>,
    }
    %scan3A_4 = arith.constant 128 : i32
    %mul3A_5 = arith.constant 640 : i32
    %mul3A_6 = arith.muli %arg1, %mul3A_5 : i32
    %scan3A_7 = arith.constant 0 : i32
    %scan3A_8 = arith.constant 5 : i32
    %scan3A_9 = arith.addi %scan3A_7, %scan3A_8 : i32
    %scan3A_10 = arith.constant 1 : i32
    scf.for %scan3A_18 = %scan3A_7 to %scan3A_9 step %scan3A_10  : i32 {
      %mul3A_19 = arith.constant 1 : i32
      %mul3A_20 = arith.muli %scan3A_18, %mul3A_19 : i32
      %add3A_21 = arith.constant 0 : i32
      %add3A_22 = arith.addi %add3A_21, %mul3A_20 : i32
      %mul3A_23 = arith.constant 128 : i32
      %mul3A_24 = arith.muli %add3A_22, %mul3A_23 : i32
      %add3A_25 = arith.addi %mul3A_6, %mul3A_24 : i32
      "tpu.region"() ({
        %run_scoped3A = tpu.sem_alloc : memref<!tpu.dma_semaphore, #tpu.memory_space<semaphore_mem>>
        %dma_start3A = arith.constant 0 : i32
        %dma_start3A_26 = tpu.memref_slice %arg7[%add3A_25, %dma_start3A] : memref<10240x16xf32, #tpu.memory_space<vmem_shared>> -> memref<128x16xf32, #tpu.memory_space<vmem_shared>>
        %dma_start3A_27 = arith.constant 0 : i32
        %dma_start3A_28 = tpu.memref_slice %arg7[%add3A_25, %dma_start3A_27] : memref<10240x16xf32, #tpu.memory_space<vmem_shared>> -> memref<128x16xf32, #tpu.memory_space<vmem_shared>>
        tpu.enqueue_dma source(%arg6 : memref<128x16xf32, #tpu.memory_space<vmem>>) target(%dma_start3A_28 : memref<128x16xf32, #tpu.memory_space<vmem_shared>>) target_semaphore(%run_scoped3A : memref<!tpu.dma_semaphore, #tpu.memory_space<semaphore_mem>>)
        %dma_wait3A = arith.constant 0 : i32
        %dma_wait3A_29 = tpu.memref_slice %arg7[%add3A_25, %dma_wait3A] : memref<10240x16xf32, #tpu.memory_space<vmem_shared>> -> memref<128x16xf32, #tpu.memory_space<vmem_shared>>
        %dma_wait3A_30 = arith.constant 0 : i32
        %dma_wait3A_31 = tpu.memref_slice %arg7[%add3A_25, %dma_wait3A_30] : memref<10240x16xf32, #tpu.memory_space<vmem_shared>> -> memref<128x16xf32, #tpu.memory_space<vmem_shared>>
        tpu.wait_dma2 semaphore(%run_scoped3A : memref<!tpu.dma_semaphore, #tpu.memory_space<semaphore_mem>>) src(%arg6 : memref<128x16xf32, #tpu.memory_space<vmem>>) dst(%dma_wait3A_31 : memref<128x16xf32, #tpu.memory_space<vmem_shared>>)
        tpu.yield
      }) : () -> ()
    }
    %scan3A_11 = arith.constant 5 : i32
    %barrier3A = arith.constant 0 : index
    tpu.barrier barrier_id(%barrier3A)
    "tpu.region"() ({
      %run_scoped3A = tpu.sem_alloc : memref<!tpu.dma_semaphore, #tpu.memory_space<semaphore_mem>>
      %dma_start3A = arith.constant 0 : i32
      %dma_start3A_18 = arith.constant 0 : i32
      %dma_start3A_19 = tpu.memref_slice %arg2[%add3A, %dma_start3A, %dma_start3A_18] : memref<32x79x128xi32, #tpu.memory_space<hbm>> -> memref<1x79x128xi32, #tpu.memory_space<hbm>>
      %dma_start3A_20 = tpu.memref_squeeze %dma_start3A_19 : memref<1x79x128xi32, #tpu.memory_space<hbm>> -> memref<79x128xi32, #tpu.memory_space<hbm>>
      %dma_start3A_21 = arith.constant 0 : i32
      %dma_start3A_22 = arith.constant 0 : i32
      %dma_start3A_23 = tpu.memref_slice %arg2[%add3A, %dma_start3A_21, %dma_start3A_22] : memref<32x79x128xi32, #tpu.memory_space<hbm>> -> memref<1x79x128xi32, #tpu.memory_space<hbm>>
      %dma_start3A_24 = tpu.memref_squeeze %dma_start3A_23 : memref<1x79x128xi32, #tpu.memory_space<hbm>> -> memref<79x128xi32, #tpu.memory_space<hbm>>
      tpu.enqueue_dma source(%dma_start3A_24 : memref<79x128xi32, #tpu.memory_space<hbm>>) target(%arg4 : memref<79x128xi32, #tpu.memory_space<vmem>>) target_semaphore(%run_scoped3A : memref<!tpu.dma_semaphore, #tpu.memory_space<semaphore_mem>>)
      %dma_wait3A = arith.constant 0 : i32
      %dma_wait3A_25 = arith.constant 0 : i32
      %dma_wait3A_26 = tpu.memref_slice %arg2[%add3A, %dma_wait3A, %dma_wait3A_25] : memref<32x79x128xi32, #tpu.memory_space<hbm>> -> memref<1x79x128xi32, #tpu.memory_space<hbm>>
      %dma_wait3A_27 = tpu.memref_squeeze %dma_wait3A_26 : memref<1x79x128xi32, #tpu.memory_space<hbm>> -> memref<79x128xi32, #tpu.memory_space<hbm>>
      %dma_wait3A_28 = arith.constant 0 : i32
      %dma_wait3A_29 = arith.constant 0 : i32
      %dma_wait3A_30 = tpu.memref_slice %arg2[%add3A, %dma_wait3A_28, %dma_wait3A_29] : memref<32x79x128xi32, #tpu.memory_space<hbm>> -> memref<1x79x128xi32, #tpu.memory_space<hbm>>
      %dma_wait3A_31 = tpu.memref_squeeze %dma_wait3A_30 : memref<1x79x128xi32, #tpu.memory_space<hbm>> -> memref<79x128xi32, #tpu.memory_space<hbm>>
      tpu.wait_dma2 semaphore(%run_scoped3A : memref<!tpu.dma_semaphore, #tpu.memory_space<semaphore_mem>>) src(%dma_wait3A_31 : memref<79x128xi32, #tpu.memory_space<hbm>>) dst(%arg4 : memref<79x128xi32, #tpu.memory_space<vmem>>)
      tpu.yield
    }) : () -> ()
    %scan3A_12 = arith.constant 0 : i32
    %scan3A_13 = arith.constant 79 : i32
    %scan3A_14 = arith.addi %scan3A_12, %scan3A_13 : i32
    %scan3A_15 = arith.constant 1 : i32
    scf.for %scan3A_18 = %scan3A_12 to %scan3A_14 step %scan3A_15  : i32 {
      %mul3A_19 = arith.constant 1 : i32
      %mul3A_20 = arith.muli %scan3A_18, %mul3A_19 : i32
      %add3A_21 = arith.constant 0 : i32
      %add3A_22 = arith.addi %add3A_21, %mul3A_20 : i32
      "tpu.region"() ({
        %run_scoped3A = tpu.sem_alloc : memref<!tpu.dma_semaphore, #tpu.memory_space<semaphore_mem>>
        %dma_start3A = arith.constant 0 : i32
        %dma_start3A_23 = tpu.memref_slice %arg4[%add3A_22, %dma_start3A] : memref<79x128xi32, #tpu.memory_space<vmem>> -> memref<1x128xi32, #tpu.memory_space<vmem>>
        %dma_start3A_24 = tpu.memref_squeeze %dma_start3A_23 : memref<1x128xi32, #tpu.memory_space<vmem>> -> memref<128xi32, #tpu.memory_space<vmem>>
        %dma_start3A_25 = arith.constant 0 : i32
        %dma_start3A_26 = arith.constant 0 : i32
        %dma_start3A_27 = tpu.memref_slice %arg7[%dma_start3A_25, %dma_start3A_26] : memref<10240x16xf32, #tpu.memory_space<vmem_shared>> -> memref<10240x16xf32, #tpu.memory_space<vmem_shared>>
        tpu.enqueue_indirect_dma source(%arg5 : memref<128x16xf32, #tpu.memory_space<vmem>>) target(%dma_start3A_27 : memref<10240x16xf32, #tpu.memory_space<vmem_shared>>) offsets(%dma_start3A_24 : memref<128xi32, #tpu.memory_space<vmem>>) semaphore(%run_scoped3A : memref<!tpu.dma_semaphore, #tpu.memory_space<semaphore_mem>>) {add = true}
        %dma_wait3A = arith.constant 0 : i32
        %dma_wait3A_28 = tpu.memref_slice %arg4[%add3A_22, %dma_wait3A] : memref<79x128xi32, #tpu.memory_space<vmem>> -> memref<1x128xi32, #tpu.memory_space<vmem>>
        %dma_wait3A_29 = tpu.memref_squeeze %dma_wait3A_28 : memref<1x128xi32, #tpu.memory_space<vmem>> -> memref<128xi32, #tpu.memory_space<vmem>>
        %dma_wait3A_30 = arith.constant 0 : i32
        %dma_wait3A_31 = arith.constant 0 : i32
        %dma_wait3A_32 = tpu.memref_slice %arg7[%dma_wait3A_30, %dma_wait3A_31] : memref<10240x16xf32, #tpu.memory_space<vmem_shared>> -> memref<10240x16xf32, #tpu.memory_space<vmem_shared>>
        tpu.wait_indirect_dma semaphore(%run_scoped3A : memref<!tpu.dma_semaphore, #tpu.memory_space<semaphore_mem>>) src(%arg5 : memref<128x16xf32, #tpu.memory_space<vmem>>) dst(%dma_wait3A_32 : memref<10240x16xf32, #tpu.memory_space<vmem_shared>>)
        tpu.yield
      }) : () -> ()
    }
    %scan3A_16 = arith.constant 79 : i32
    %barrier3A_17 = arith.constant 0 : index
    tpu.barrier barrier_id(%barrier3A_17)
    "tpu.region"() ({
      %run_scoped3A = tpu.sem_alloc : memref<!tpu.dma_semaphore, #tpu.memory_space<semaphore_mem>>
      %dma_start3A = arith.constant 0 : i32
      %dma_start3A_18 = tpu.memref_slice %arg3[%arg0, %mul3A_6, %dma_start3A] : memref<2x10240x16xf32, #tpu.memory_space<hbm>> -> memref<1x640x16xf32, #tpu.memory_space<hbm>>
      %dma_start3A_19 = tpu.memref_squeeze %dma_start3A_18 : memref<1x640x16xf32, #tpu.memory_space<hbm>> -> memref<640x16xf32, #tpu.memory_space<hbm>>
      %dma_start3A_20 = arith.constant 0 : i32
      %dma_start3A_21 = tpu.memref_slice %arg7[%mul3A_6, %dma_start3A_20] : memref<10240x16xf32, #tpu.memory_space<vmem_shared>> -> memref<640x16xf32, #tpu.memory_space<vmem_shared>>
      tpu.enqueue_dma source(%dma_start3A_21 : memref<640x16xf32, #tpu.memory_space<vmem_shared>>) target(%dma_start3A_19 : memref<640x16xf32, #tpu.memory_space<hbm>>) target_semaphore(%run_scoped3A : memref<!tpu.dma_semaphore, #tpu.memory_space<semaphore_mem>>)
      %dma_wait3A = arith.constant 0 : i32
      %dma_wait3A_22 = tpu.memref_slice %arg3[%arg0, %mul3A_6, %dma_wait3A] : memref<2x10240x16xf32, #tpu.memory_space<hbm>> -> memref<1x640x16xf32, #tpu.memory_space<hbm>>
      %dma_wait3A_23 = tpu.memref_squeeze %dma_wait3A_22 : memref<1x640x16xf32, #tpu.memory_space<hbm>> -> memref<640x16xf32, #tpu.memory_space<hbm>>
      %dma_wait3A_24 = arith.constant 0 : i32
      %dma_wait3A_25 = tpu.memref_slice %arg7[%mul3A_6, %dma_wait3A_24] : memref<10240x16xf32, #tpu.memory_space<vmem_shared>> -> memref<640x16xf32, #tpu.memory_space<vmem_shared>>
      tpu.wait_dma2 semaphore(%run_scoped3A : memref<!tpu.dma_semaphore, #tpu.memory_space<semaphore_mem>>) src(%dma_wait3A_25 : memref<640x16xf32, #tpu.memory_space<vmem_shared>>) dst(%dma_wait3A_23 : memref<640x16xf32, #tpu.memory_space<hbm>>)
      tpu.yield
    }) : () -> ()
    return
  }
}

#map = affine_map<(d0, d1) -> (0, 0)>
#map1 = affine_map<(d0, d1) -> (0, 0, 0)>
module attributes {stable_mosaic.version = 14 : i64} {
  func.func @_edge_kernel(%arg0: i32, %arg1: i32, %arg2: memref<10000x128xf32, #tpu.memory_space<hbm>>, %arg3: memref<32x79x128xi32, #tpu.memory_space<hbm>>, %arg4: memref<32x79x128xi32, #tpu.memory_space<hbm>>, %arg5: memref<2x10240x128xf32, #tpu.memory_space<hbm>>, %arg6: memref<79x128xi32, #tpu.memory_space<vmem>>, %arg7: memref<79x128xi32, #tpu.memory_space<vmem>>, %arg8: memref<128x128xf32, #tpu.memory_space<vmem>>, %arg9: memref<10240x128xf32, #tpu.memory_space<vmem_shared>>) attributes {dimension_semantics = [#tpu.dimension_semantics<core_parallel>, #tpu.dimension_semantics<subcore_parallel>], iteration_bounds = array<i64: 2, 16>, scalar_prefetch = 0 : i64, scratch_operands = 4 : i64, tpu.core_type = #tpu.core_type<sc_vector_subcore>, window_params = [{transform_indices = #map}, {transform_indices = #map1}, {transform_indices = #map1}, {transform_indices = #map1}]} {
    %mul3A = arith.constant 16 : i32
    %mul3A_0 = arith.muli %arg0, %mul3A : i32
    %add3A = arith.addi %mul3A_0, %arg1 : i32
    %scan3A = arith.constant 0 : i32
    %scan3A_1 = arith.constant 128 : i32
    %scan3A_2 = arith.addi %scan3A, %scan3A_1 : i32
    %scan3A_3 = arith.constant 1 : i32
    scf.for %scan3A_18 = %scan3A to %scan3A_2 step %scan3A_3  : i32 {
      %mul3A_19 = arith.constant 1 : i32
      %mul3A_20 = arith.muli %scan3A_18, %mul3A_19 : i32
      %add3A_21 = arith.constant 0 : i32
      %add3A_22 = arith.addi %add3A_21, %mul3A_20 : i32
      %broadcast_in_dim3A = arith.constant 0.000000e+00 : f32
      %broadcast_in_dim3A_23 = vector.broadcast %broadcast_in_dim3A : f32 to vector<16xf32>
      %swap3A = arith.index_cast %add3A_22 : i32 to index
      %swap3A_24 = arith.constant 0 : index
      %swap3A_25 = tpu.vector_load %arg8[%swap3A, %swap3A_24] {strides = array<i32>} : memref<128x128xf32, #tpu.memory_space<vmem>>, vector<1x16xf32>,
      %swap3A_26 = vector.shape_cast %swap3A_25 : vector<1x16xf32> to vector<16xf32>
      %swap3A_27 = vector.shape_cast %broadcast_in_dim3A_23 : vector<16xf32> to vector<1x16xf32>
      tpu.vector_store %arg8[%swap3A, %swap3A_24], %swap3A_27 {strides = array<i32>} : memref<128x128xf32, #tpu.memory_space<vmem>>, vector<1x16xf32>,
      %broadcast_in_dim3A_28 = arith.constant 0.000000e+00 : f32
      %broadcast_in_dim3A_29 = vector.broadcast %broadcast_in_dim3A_28 : f32 to vector<16xf32>
      %swap3A_30 = arith.index_cast %add3A_22 : i32 to index
      %swap3A_31 = arith.constant 16 : index
      %swap3A_32 = tpu.vector_load %arg8[%swap3A_30, %swap3A_31] {strides = array<i32>} : memref<128x128xf32, #tpu.memory_space<vmem>>, vector<1x16xf32>,
      %swap3A_33 = vector.shape_cast %swap3A_32 : vector<1x16xf32> to vector<16xf32>
      %swap3A_34 = vector.shape_cast %broadcast_in_dim3A_29 : vector<16xf32> to vector<1x16xf32>
      tpu.vector_store %arg8[%swap3A_30, %swap3A_31], %swap3A_34 {strides = array<i32>} : memref<128x128xf32, #tpu.memory_space<vmem>>, vector<1x16xf32>,
      %broadcast_in_dim3A_35 = arith.constant 0.000000e+00 : f32
      %broadcast_in_dim3A_36 = vector.broadcast %broadcast_in_dim3A_35 : f32 to vector<16xf32>
      %swap3A_37 = arith.index_cast %add3A_22 : i32 to index
      %swap3A_38 = arith.constant 32 : index
      %swap3A_39 = tpu.vector_load %arg8[%swap3A_37, %swap3A_38] {strides = array<i32>} : memref<128x128xf32, #tpu.memory_space<vmem>>, vector<1x16xf32>,
      %swap3A_40 = vector.shape_cast %swap3A_39 : vector<1x16xf32> to vector<16xf32>
      %swap3A_41 = vector.shape_cast %broadcast_in_dim3A_36 : vector<16xf32> to vector<1x16xf32>
      tpu.vector_store %arg8[%swap3A_37, %swap3A_38], %swap3A_41 {strides = array<i32>} : memref<128x128xf32, #tpu.memory_space<vmem>>, vector<1x16xf32>,
      %broadcast_in_dim3A_42 = arith.constant 0.000000e+00 : f32
      %broadcast_in_dim3A_43 = vector.broadcast %broadcast_in_dim3A_42 : f32 to vector<16xf32>
      %swap3A_44 = arith.index_cast %add3A_22 : i32 to index
      %swap3A_45 = arith.constant 48 : index
      %swap3A_46 = tpu.vector_load %arg8[%swap3A_44, %swap3A_45] {strides = array<i32>} : memref<128x128xf32, #tpu.memory_space<vmem>>, vector<1x16xf32>,
      %swap3A_47 = vector.shape_cast %swap3A_46 : vector<1x16xf32> to vector<16xf32>
      %swap3A_48 = vector.shape_cast %broadcast_in_dim3A_43 : vector<16xf32> to vector<1x16xf32>
      tpu.vector_store %arg8[%swap3A_44, %swap3A_45], %swap3A_48 {strides = array<i32>} : memref<128x128xf32, #tpu.memory_space<vmem>>, vector<1x16xf32>,
      %broadcast_in_dim3A_49 = arith.constant 0.000000e+00 : f32
      %broadcast_in_dim3A_50 = vector.broadcast %broadcast_in_dim3A_49 : f32 to vector<16xf32>
      %swap3A_51 = arith.index_cast %add3A_22 : i32 to index
      %swap3A_52 = arith.constant 64 : index
      %swap3A_53 = tpu.vector_load %arg8[%swap3A_51, %swap3A_52] {strides = array<i32>} : memref<128x128xf32, #tpu.memory_space<vmem>>, vector<1x16xf32>,
      %swap3A_54 = vector.shape_cast %swap3A_53 : vector<1x16xf32> to vector<16xf32>
      %swap3A_55 = vector.shape_cast %broadcast_in_dim3A_50 : vector<16xf32> to vector<1x16xf32>
      tpu.vector_store %arg8[%swap3A_51, %swap3A_52], %swap3A_55 {strides = array<i32>} : memref<128x128xf32, #tpu.memory_space<vmem>>, vector<1x16xf32>,
      %broadcast_in_dim3A_56 = arith.constant 0.000000e+00 : f32
      %broadcast_in_dim3A_57 = vector.broadcast %broadcast_in_dim3A_56 : f32 to vector<16xf32>
      %swap3A_58 = arith.index_cast %add3A_22 : i32 to index
      %swap3A_59 = arith.constant 80 : index
      %swap3A_60 = tpu.vector_load %arg8[%swap3A_58, %swap3A_59] {strides = array<i32>} : memref<128x128xf32, #tpu.memory_space<vmem>>, vector<1x16xf32>,
      %swap3A_61 = vector.shape_cast %swap3A_60 : vector<1x16xf32> to vector<16xf32>
      %swap3A_62 = vector.shape_cast %broadcast_in_dim3A_57 : vector<16xf32> to vector<1x16xf32>
      tpu.vector_store %arg8[%swap3A_58, %swap3A_59], %swap3A_62 {strides = array<i32>} : memref<128x128xf32, #tpu.memory_space<vmem>>, vector<1x16xf32>,
      %broadcast_in_dim3A_63 = arith.constant 0.000000e+00 : f32
      %broadcast_in_dim3A_64 = vector.broadcast %broadcast_in_dim3A_63 : f32 to vector<16xf32>
      %swap3A_65 = arith.index_cast %add3A_22 : i32 to index
      %swap3A_66 = arith.constant 96 : index
      %swap3A_67 = tpu.vector_load %arg8[%swap3A_65, %swap3A_66] {strides = array<i32>} : memref<128x128xf32, #tpu.memory_space<vmem>>, vector<1x16xf32>,
      %swap3A_68 = vector.shape_cast %swap3A_67 : vector<1x16xf32> to vector<16xf32>
      %swap3A_69 = vector.shape_cast %broadcast_in_dim3A_64 : vector<16xf32> to vector<1x16xf32>
      tpu.vector_store %arg8[%swap3A_65, %swap3A_66], %swap3A_69 {strides = array<i32>} : memref<128x128xf32, #tpu.memory_space<vmem>>, vector<1x16xf32>,
      %broadcast_in_dim3A_70 = arith.constant 0.000000e+00 : f32
      %broadcast_in_dim3A_71 = vector.broadcast %broadcast_in_dim3A_70 : f32 to vector<16xf32>
      %swap3A_72 = arith.index_cast %add3A_22 : i32 to index
      %swap3A_73 = arith.constant 112 : index
      %swap3A_74 = tpu.vector_load %arg8[%swap3A_72, %swap3A_73] {strides = array<i32>} : memref<128x128xf32, #tpu.memory_space<vmem>>, vector<1x16xf32>,
      %swap3A_75 = vector.shape_cast %swap3A_74 : vector<1x16xf32> to vector<16xf32>
      %swap3A_76 = vector.shape_cast %broadcast_in_dim3A_71 : vector<16xf32> to vector<1x16xf32>
      tpu.vector_store %arg8[%swap3A_72, %swap3A_73], %swap3A_76 {strides = array<i32>} : memref<128x128xf32, #tpu.memory_space<vmem>>, vector<1x16xf32>,
    }
    %scan3A_4 = arith.constant 128 : i32
    %mul3A_5 = arith.constant 640 : i32
    %mul3A_6 = arith.muli %arg1, %mul3A_5 : i32
    %scan3A_7 = arith.constant 0 : i32
    %scan3A_8 = arith.constant 5 : i32
    %scan3A_9 = arith.addi %scan3A_7, %scan3A_8 : i32
    %scan3A_10 = arith.constant 1 : i32
    scf.for %scan3A_18 = %scan3A_7 to %scan3A_9 step %scan3A_10  : i32 {
      %mul3A_19 = arith.constant 1 : i32
      %mul3A_20 = arith.muli %scan3A_18, %mul3A_19 : i32
      %add3A_21 = arith.constant 0 : i32
      %add3A_22 = arith.addi %add3A_21, %mul3A_20 : i32
      %mul3A_23 = arith.constant 128 : i32
      %mul3A_24 = arith.muli %add3A_22, %mul3A_23 : i32
      %add3A_25 = arith.addi %mul3A_6, %mul3A_24 : i32
      "tpu.region"() ({
        %run_scoped3A = tpu.sem_alloc : memref<!tpu.dma_semaphore, #tpu.memory_space<semaphore_mem>>
        %dma_start3A = arith.constant 0 : i32
        %dma_start3A_26 = tpu.memref_slice %arg9[%add3A_25, %dma_start3A] : memref<10240x128xf32, #tpu.memory_space<vmem_shared>> -> memref<128x128xf32, #tpu.memory_space<vmem_shared>>
        %dma_start3A_27 = arith.constant 0 : i32
        %dma_start3A_28 = tpu.memref_slice %arg9[%add3A_25, %dma_start3A_27] : memref<10240x128xf32, #tpu.memory_space<vmem_shared>> -> memref<128x128xf32, #tpu.memory_space<vmem_shared>>
        tpu.enqueue_dma source(%arg8 : memref<128x128xf32, #tpu.memory_space<vmem>>) target(%dma_start3A_28 : memref<128x128xf32, #tpu.memory_space<vmem_shared>>) target_semaphore(%run_scoped3A : memref<!tpu.dma_semaphore, #tpu.memory_space<semaphore_mem>>)
        %dma_wait3A = arith.constant 0 : i32
        %dma_wait3A_29 = tpu.memref_slice %arg9[%add3A_25, %dma_wait3A] : memref<10240x128xf32, #tpu.memory_space<vmem_shared>> -> memref<128x128xf32, #tpu.memory_space<vmem_shared>>
        %dma_wait3A_30 = arith.constant 0 : i32
        %dma_wait3A_31 = tpu.memref_slice %arg9[%add3A_25, %dma_wait3A_30] : memref<10240x128xf32, #tpu.memory_space<vmem_shared>> -> memref<128x128xf32, #tpu.memory_space<vmem_shared>>
        tpu.wait_dma2 semaphore(%run_scoped3A : memref<!tpu.dma_semaphore, #tpu.memory_space<semaphore_mem>>) src(%arg8 : memref<128x128xf32, #tpu.memory_space<vmem>>) dst(%dma_wait3A_31 : memref<128x128xf32, #tpu.memory_space<vmem_shared>>)
        tpu.yield
      }) : () -> ()
    }
    %scan3A_11 = arith.constant 5 : i32
    %barrier3A = arith.constant 0 : index
    tpu.barrier barrier_id(%barrier3A)
    "tpu.region"() ({
      %run_scoped3A = tpu.sem_alloc : memref<!tpu.dma_semaphore, #tpu.memory_space<semaphore_mem>>
      %dma_start3A = arith.constant 0 : i32
      %dma_start3A_18 = arith.constant 0 : i32
      %dma_start3A_19 = tpu.memref_slice %arg3[%add3A, %dma_start3A, %dma_start3A_18] : memref<32x79x128xi32, #tpu.memory_space<hbm>> -> memref<1x79x128xi32, #tpu.memory_space<hbm>>
      %dma_start3A_20 = tpu.memref_squeeze %dma_start3A_19 : memref<1x79x128xi32, #tpu.memory_space<hbm>> -> memref<79x128xi32, #tpu.memory_space<hbm>>
      %dma_start3A_21 = arith.constant 0 : i32
      %dma_start3A_22 = arith.constant 0 : i32
      %dma_start3A_23 = tpu.memref_slice %arg3[%add3A, %dma_start3A_21, %dma_start3A_22] : memref<32x79x128xi32, #tpu.memory_space<hbm>> -> memref<1x79x128xi32, #tpu.memory_space<hbm>>
      %dma_start3A_24 = tpu.memref_squeeze %dma_start3A_23 : memref<1x79x128xi32, #tpu.memory_space<hbm>> -> memref<79x128xi32, #tpu.memory_space<hbm>>
      tpu.enqueue_dma source(%dma_start3A_24 : memref<79x128xi32, #tpu.memory_space<hbm>>) target(%arg6 : memref<79x128xi32, #tpu.memory_space<vmem>>) target_semaphore(%run_scoped3A : memref<!tpu.dma_semaphore, #tpu.memory_space<semaphore_mem>>)
      %dma_wait3A = arith.constant 0 : i32
      %dma_wait3A_25 = arith.constant 0 : i32
      %dma_wait3A_26 = tpu.memref_slice %arg3[%add3A, %dma_wait3A, %dma_wait3A_25] : memref<32x79x128xi32, #tpu.memory_space<hbm>> -> memref<1x79x128xi32, #tpu.memory_space<hbm>>
      %dma_wait3A_27 = tpu.memref_squeeze %dma_wait3A_26 : memref<1x79x128xi32, #tpu.memory_space<hbm>> -> memref<79x128xi32, #tpu.memory_space<hbm>>
      %dma_wait3A_28 = arith.constant 0 : i32
      %dma_wait3A_29 = arith.constant 0 : i32
      %dma_wait3A_30 = tpu.memref_slice %arg3[%add3A, %dma_wait3A_28, %dma_wait3A_29] : memref<32x79x128xi32, #tpu.memory_space<hbm>> -> memref<1x79x128xi32, #tpu.memory_space<hbm>>
      %dma_wait3A_31 = tpu.memref_squeeze %dma_wait3A_30 : memref<1x79x128xi32, #tpu.memory_space<hbm>> -> memref<79x128xi32, #tpu.memory_space<hbm>>
      tpu.wait_dma2 semaphore(%run_scoped3A : memref<!tpu.dma_semaphore, #tpu.memory_space<semaphore_mem>>) src(%dma_wait3A_31 : memref<79x128xi32, #tpu.memory_space<hbm>>) dst(%arg6 : memref<79x128xi32, #tpu.memory_space<vmem>>)
      tpu.yield
    }) : () -> ()
    "tpu.region"() ({
      %run_scoped3A = tpu.sem_alloc : memref<!tpu.dma_semaphore, #tpu.memory_space<semaphore_mem>>
      %dma_start3A = arith.constant 0 : i32
      %dma_start3A_18 = arith.constant 0 : i32
      %dma_start3A_19 = tpu.memref_slice %arg4[%add3A, %dma_start3A, %dma_start3A_18] : memref<32x79x128xi32, #tpu.memory_space<hbm>> -> memref<1x79x128xi32, #tpu.memory_space<hbm>>
      %dma_start3A_20 = tpu.memref_squeeze %dma_start3A_19 : memref<1x79x128xi32, #tpu.memory_space<hbm>> -> memref<79x128xi32, #tpu.memory_space<hbm>>
      %dma_start3A_21 = arith.constant 0 : i32
      %dma_start3A_22 = arith.constant 0 : i32
      %dma_start3A_23 = tpu.memref_slice %arg4[%add3A, %dma_start3A_21, %dma_start3A_22] : memref<32x79x128xi32, #tpu.memory_space<hbm>> -> memref<1x79x128xi32, #tpu.memory_space<hbm>>
      %dma_start3A_24 = tpu.memref_squeeze %dma_start3A_23 : memref<1x79x128xi32, #tpu.memory_space<hbm>> -> memref<79x128xi32, #tpu.memory_space<hbm>>
      tpu.enqueue_dma source(%dma_start3A_24 : memref<79x128xi32, #tpu.memory_space<hbm>>) target(%arg7 : memref<79x128xi32, #tpu.memory_space<vmem>>) target_semaphore(%run_scoped3A : memref<!tpu.dma_semaphore, #tpu.memory_space<semaphore_mem>>)
      %dma_wait3A = arith.constant 0 : i32
      %dma_wait3A_25 = arith.constant 0 : i32
      %dma_wait3A_26 = tpu.memref_slice %arg4[%add3A, %dma_wait3A, %dma_wait3A_25] : memref<32x79x128xi32, #tpu.memory_space<hbm>> -> memref<1x79x128xi32, #tpu.memory_space<hbm>>
      %dma_wait3A_27 = tpu.memref_squeeze %dma_wait3A_26 : memref<1x79x128xi32, #tpu.memory_space<hbm>> -> memref<79x128xi32, #tpu.memory_space<hbm>>
      %dma_wait3A_28 = arith.constant 0 : i32
      %dma_wait3A_29 = arith.constant 0 : i32
      %dma_wait3A_30 = tpu.memref_slice %arg4[%add3A, %dma_wait3A_28, %dma_wait3A_29] : memref<32x79x128xi32, #tpu.memory_space<hbm>> -> memref<1x79x128xi32, #tpu.memory_space<hbm>>
      %dma_wait3A_31 = tpu.memref_squeeze %dma_wait3A_30 : memref<1x79x128xi32, #tpu.memory_space<hbm>> -> memref<79x128xi32, #tpu.memory_space<hbm>>
      tpu.wait_dma2 semaphore(%run_scoped3A : memref<!tpu.dma_semaphore, #tpu.memory_space<semaphore_mem>>) src(%dma_wait3A_31 : memref<79x128xi32, #tpu.memory_space<hbm>>) dst(%arg7 : memref<79x128xi32, #tpu.memory_space<vmem>>)
      tpu.yield
    }) : () -> ()
    %scan3A_12 = arith.constant 0 : i32
    %scan3A_13 = arith.constant 79 : i32
    %scan3A_14 = arith.addi %scan3A_12, %scan3A_13 : i32
    %scan3A_15 = arith.constant 1 : i32
    scf.for %scan3A_18 = %scan3A_12 to %scan3A_14 step %scan3A_15  : i32 {
      %mul3A_19 = arith.constant 1 : i32
      %mul3A_20 = arith.muli %scan3A_18, %mul3A_19 : i32
      %add3A_21 = arith.constant 0 : i32
      %add3A_22 = arith.addi %add3A_21, %mul3A_20 : i32
      "tpu.region"() ({
        %run_scoped3A = tpu.sem_alloc : memref<!tpu.dma_semaphore, #tpu.memory_space<semaphore_mem>>
        %dma_start3A = arith.constant 0 : i32
        %dma_start3A_23 = tpu.memref_slice %arg6[%add3A_22, %dma_start3A] : memref<79x128xi32, #tpu.memory_space<vmem>> -> memref<1x128xi32, #tpu.memory_space<vmem>>
        %dma_start3A_24 = tpu.memref_squeeze %dma_start3A_23 : memref<1x128xi32, #tpu.memory_space<vmem>> -> memref<128xi32, #tpu.memory_space<vmem>>
        %dma_start3A_25 = arith.constant 0 : i32
        %dma_start3A_26 = arith.constant 0 : i32
        %dma_start3A_27 = tpu.memref_slice %arg2[%dma_start3A_25, %dma_start3A_26] : memref<10000x128xf32, #tpu.memory_space<hbm>> -> memref<10000x128xf32, #tpu.memory_space<hbm>>
        tpu.enqueue_indirect_dma source(%dma_start3A_27 : memref<10000x128xf32, #tpu.memory_space<hbm>>) target(%arg8 : memref<128x128xf32, #tpu.memory_space<vmem>>) offsets(%dma_start3A_24 : memref<128xi32, #tpu.memory_space<vmem>>) semaphore(%run_scoped3A : memref<!tpu.dma_semaphore, #tpu.memory_space<semaphore_mem>>)
        %dma_wait3A = arith.constant 0 : i32
        %dma_wait3A_28 = tpu.memref_slice %arg6[%add3A_22, %dma_wait3A] : memref<79x128xi32, #tpu.memory_space<vmem>> -> memref<1x128xi32, #tpu.memory_space<vmem>>
        %dma_wait3A_29 = tpu.memref_squeeze %dma_wait3A_28 : memref<1x128xi32, #tpu.memory_space<vmem>> -> memref<128xi32, #tpu.memory_space<vmem>>
        %dma_wait3A_30 = arith.constant 0 : i32
        %dma_wait3A_31 = arith.constant 0 : i32
        %dma_wait3A_32 = tpu.memref_slice %arg2[%dma_wait3A_30, %dma_wait3A_31] : memref<10000x128xf32, #tpu.memory_space<hbm>> -> memref<10000x128xf32, #tpu.memory_space<hbm>>
        tpu.wait_indirect_dma semaphore(%run_scoped3A : memref<!tpu.dma_semaphore, #tpu.memory_space<semaphore_mem>>) src(%dma_wait3A_32 : memref<10000x128xf32, #tpu.memory_space<hbm>>) dst(%arg8 : memref<128x128xf32, #tpu.memory_space<vmem>>)
        tpu.yield
      }) : () -> ()
      "tpu.region"() ({
        %run_scoped3A = tpu.sem_alloc : memref<!tpu.dma_semaphore, #tpu.memory_space<semaphore_mem>>
        %dma_start3A = arith.constant 0 : i32
        %dma_start3A_23 = tpu.memref_slice %arg7[%add3A_22, %dma_start3A] : memref<79x128xi32, #tpu.memory_space<vmem>> -> memref<1x128xi32, #tpu.memory_space<vmem>>
        %dma_start3A_24 = tpu.memref_squeeze %dma_start3A_23 : memref<1x128xi32, #tpu.memory_space<vmem>> -> memref<128xi32, #tpu.memory_space<vmem>>
        %dma_start3A_25 = arith.constant 0 : i32
        %dma_start3A_26 = arith.constant 0 : i32
        %dma_start3A_27 = tpu.memref_slice %arg9[%dma_start3A_25, %dma_start3A_26] : memref<10240x128xf32, #tpu.memory_space<vmem_shared>> -> memref<10240x128xf32, #tpu.memory_space<vmem_shared>>
        tpu.enqueue_indirect_dma source(%arg8 : memref<128x128xf32, #tpu.memory_space<vmem>>) target(%dma_start3A_27 : memref<10240x128xf32, #tpu.memory_space<vmem_shared>>) offsets(%dma_start3A_24 : memref<128xi32, #tpu.memory_space<vmem>>) semaphore(%run_scoped3A : memref<!tpu.dma_semaphore, #tpu.memory_space<semaphore_mem>>) {add = true}
        %dma_wait3A = arith.constant 0 : i32
        %dma_wait3A_28 = tpu.memref_slice %arg7[%add3A_22, %dma_wait3A] : memref<79x128xi32, #tpu.memory_space<vmem>> -> memref<1x128xi32, #tpu.memory_space<vmem>>
        %dma_wait3A_29 = tpu.memref_squeeze %dma_wait3A_28 : memref<1x128xi32, #tpu.memory_space<vmem>> -> memref<128xi32, #tpu.memory_space<vmem>>
        %dma_wait3A_30 = arith.constant 0 : i32
        %dma_wait3A_31 = arith.constant 0 : i32
        %dma_wait3A_32 = tpu.memref_slice %arg9[%dma_wait3A_30, %dma_wait3A_31] : memref<10240x128xf32, #tpu.memory_space<vmem_shared>> -> memref<10240x128xf32, #tpu.memory_space<vmem_shared>>
        tpu.wait_indirect_dma semaphore(%run_scoped3A : memref<!tpu.dma_semaphore, #tpu.memory_space<semaphore_mem>>) src(%arg8 : memref<128x128xf32, #tpu.memory_space<vmem>>) dst(%dma_wait3A_32 : memref<10240x128xf32, #tpu.memory_space<vmem_shared>>)
        tpu.yield
      }) : () -> ()
    }
    %scan3A_16 = arith.constant 79 : i32
    %barrier3A_17 = arith.constant 0 : index
    tpu.barrier barrier_id(%barrier3A_17)
    "tpu.region"() ({
      %run_scoped3A = tpu.sem_alloc : memref<!tpu.dma_semaphore, #tpu.memory_space<semaphore_mem>>
      %dma_start3A = arith.constant 0 : i32
      %dma_start3A_18 = tpu.memref_slice %arg5[%arg0, %mul3A_6, %dma_start3A] : memref<2x10240x128xf32, #tpu.memory_space<hbm>> -> memref<1x640x128xf32, #tpu.memory_space<hbm>>
      %dma_start3A_19 = tpu.memref_squeeze %dma_start3A_18 : memref<1x640x128xf32, #tpu.memory_space<hbm>> -> memref<640x128xf32, #tpu.memory_space<hbm>>
      %dma_start3A_20 = arith.constant 0 : i32
      %dma_start3A_21 = tpu.memref_slice %arg9[%mul3A_6, %dma_start3A_20] : memref<10240x128xf32, #tpu.memory_space<vmem_shared>> -> memref<640x128xf32, #tpu.memory_space<vmem_shared>>
      tpu.enqueue_dma source(%dma_start3A_21 : memref<640x128xf32, #tpu.memory_space<vmem_shared>>) target(%dma_start3A_19 : memref<640x128xf32, #tpu.memory_space<hbm>>) target_semaphore(%run_scoped3A : memref<!tpu.dma_semaphore, #tpu.memory_space<semaphore_mem>>)
      %dma_wait3A = arith.constant 0 : i32
      %dma_wait3A_22 = tpu.memref_slice %arg5[%arg0, %mul3A_6, %dma_wait3A] : memref<2x10240x128xf32, #tpu.memory_space<hbm>> -> memref<1x640x128xf32, #tpu.memory_space<hbm>>
      %dma_wait3A_23 = tpu.memref_squeeze %dma_wait3A_22 : memref<1x640x128xf32, #tpu.memory_space<hbm>> -> memref<640x128xf32, #tpu.memory_space<hbm>>
      %dma_wait3A_24 = arith.constant 0 : i32
      %dma_wait3A_25 = tpu.memref_slice %arg9[%mul3A_6, %dma_wait3A_24] : memref<10240x128xf32, #tpu.memory_space<vmem_shared>> -> memref<640x128xf32, #tpu.memory_space<vmem_shared>>
      tpu.wait_dma2 semaphore(%run_scoped3A : memref<!tpu.dma_semaphore, #tpu.memory_space<semaphore_mem>>) src(%dma_wait3A_25 : memref<640x128xf32, #tpu.memory_space<vmem_shared>>) dst(%dma_wait3A_23 : memref<640x128xf32, #tpu.memory_space<hbm>>)
      tpu.yield
    }) : () -> ()
    return
  }
}

#map = affine_map<(d0, d1) -> (0, 0)>
#map1 = affine_map<(d0, d1) -> (0, 0, 0)>
module attributes {stable_mosaic.version = 14 : i64} {
  func.func @_edge_kernel(%arg0: i32, %arg1: i32, %arg2: memref<10000x128xf32, #tpu.memory_space<hbm>>, %arg3: memref<32x79x128xi32, #tpu.memory_space<hbm>>, %arg4: memref<32x79x128xi32, #tpu.memory_space<hbm>>, %arg5: memref<2x10240x128xf32, #tpu.memory_space<hbm>>, %arg6: memref<79x128xi32, #tpu.memory_space<vmem>>, %arg7: memref<79x128xi32, #tpu.memory_space<vmem>>, %arg8: memref<128x128xf32, #tpu.memory_space<vmem>>, %arg9: memref<10240x128xf32, #tpu.memory_space<vmem_shared>>) attributes {dimension_semantics = [#tpu.dimension_semantics<core_parallel>, #tpu.dimension_semantics<subcore_parallel>], iteration_bounds = array<i64: 2, 16>, scalar_prefetch = 0 : i64, scratch_operands = 4 : i64, tpu.core_type = #tpu.core_type<sc_vector_subcore>, window_params = [{transform_indices = #map}, {transform_indices = #map1}, {transform_indices = #map1}, {transform_indices = #map1}]} {
    %mul3A = arith.constant 16 : i32
    %mul3A_0 = arith.muli %arg0, %mul3A : i32
    %add3A = arith.addi %mul3A_0, %arg1 : i32
    %scan3A = arith.constant 0 : i32
    %scan3A_1 = arith.constant 128 : i32
    %scan3A_2 = arith.addi %scan3A, %scan3A_1 : i32
    %scan3A_3 = arith.constant 1 : i32
    scf.for %scan3A_18 = %scan3A to %scan3A_2 step %scan3A_3  : i32 {
      %mul3A_19 = arith.constant 1 : i32
      %mul3A_20 = arith.muli %scan3A_18, %mul3A_19 : i32
      %add3A_21 = arith.constant 0 : i32
      %add3A_22 = arith.addi %add3A_21, %mul3A_20 : i32
      %broadcast_in_dim3A = arith.constant 0.000000e+00 : f32
      %broadcast_in_dim3A_23 = vector.broadcast %broadcast_in_dim3A : f32 to vector<16xf32>
      %swap3A = arith.index_cast %add3A_22 : i32 to index
      %swap3A_24 = arith.constant 0 : index
      %swap3A_25 = tpu.vector_load %arg8[%swap3A, %swap3A_24] {strides = array<i32>} : memref<128x128xf32, #tpu.memory_space<vmem>>, vector<1x16xf32>,
      %swap3A_26 = vector.shape_cast %swap3A_25 : vector<1x16xf32> to vector<16xf32>
      %swap3A_27 = vector.shape_cast %broadcast_in_dim3A_23 : vector<16xf32> to vector<1x16xf32>
      tpu.vector_store %arg8[%swap3A, %swap3A_24], %swap3A_27 {strides = array<i32>} : memref<128x128xf32, #tpu.memory_space<vmem>>, vector<1x16xf32>,
      %broadcast_in_dim3A_28 = arith.constant 0.000000e+00 : f32
      %broadcast_in_dim3A_29 = vector.broadcast %broadcast_in_dim3A_28 : f32 to vector<16xf32>
      %swap3A_30 = arith.index_cast %add3A_22 : i32 to index
      %swap3A_31 = arith.constant 16 : index
      %swap3A_32 = tpu.vector_load %arg8[%swap3A_30, %swap3A_31] {strides = array<i32>} : memref<128x128xf32, #tpu.memory_space<vmem>>, vector<1x16xf32>,
      %swap3A_33 = vector.shape_cast %swap3A_32 : vector<1x16xf32> to vector<16xf32>
      %swap3A_34 = vector.shape_cast %broadcast_in_dim3A_29 : vector<16xf32> to vector<1x16xf32>
      tpu.vector_store %arg8[%swap3A_30, %swap3A_31], %swap3A_34 {strides = array<i32>} : memref<128x128xf32, #tpu.memory_space<vmem>>, vector<1x16xf32>,
      %broadcast_in_dim3A_35 = arith.constant 0.000000e+00 : f32
      %broadcast_in_dim3A_36 = vector.broadcast %broadcast_in_dim3A_35 : f32 to vector<16xf32>
      %swap3A_37 = arith.index_cast %add3A_22 : i32 to index
      %swap3A_38 = arith.constant 32 : index
      %swap3A_39 = tpu.vector_load %arg8[%swap3A_37, %swap3A_38] {strides = array<i32>} : memref<128x128xf32, #tpu.memory_space<vmem>>, vector<1x16xf32>,
      %swap3A_40 = vector.shape_cast %swap3A_39 : vector<1x16xf32> to vector<16xf32>
      %swap3A_41 = vector.shape_cast %broadcast_in_dim3A_36 : vector<16xf32> to vector<1x16xf32>
      tpu.vector_store %arg8[%swap3A_37, %swap3A_38], %swap3A_41 {strides = array<i32>} : memref<128x128xf32, #tpu.memory_space<vmem>>, vector<1x16xf32>,
      %broadcast_in_dim3A_42 = arith.constant 0.000000e+00 : f32
      %broadcast_in_dim3A_43 = vector.broadcast %broadcast_in_dim3A_42 : f32 to vector<16xf32>
      %swap3A_44 = arith.index_cast %add3A_22 : i32 to index
      %swap3A_45 = arith.constant 48 : index
      %swap3A_46 = tpu.vector_load %arg8[%swap3A_44, %swap3A_45] {strides = array<i32>} : memref<128x128xf32, #tpu.memory_space<vmem>>, vector<1x16xf32>,
      %swap3A_47 = vector.shape_cast %swap3A_46 : vector<1x16xf32> to vector<16xf32>
      %swap3A_48 = vector.shape_cast %broadcast_in_dim3A_43 : vector<16xf32> to vector<1x16xf32>
      tpu.vector_store %arg8[%swap3A_44, %swap3A_45], %swap3A_48 {strides = array<i32>} : memref<128x128xf32, #tpu.memory_space<vmem>>, vector<1x16xf32>,
      %broadcast_in_dim3A_49 = arith.constant 0.000000e+00 : f32
      %broadcast_in_dim3A_50 = vector.broadcast %broadcast_in_dim3A_49 : f32 to vector<16xf32>
      %swap3A_51 = arith.index_cast %add3A_22 : i32 to index
      %swap3A_52 = arith.constant 64 : index
      %swap3A_53 = tpu.vector_load %arg8[%swap3A_51, %swap3A_52] {strides = array<i32>} : memref<128x128xf32, #tpu.memory_space<vmem>>, vector<1x16xf32>,
      %swap3A_54 = vector.shape_cast %swap3A_53 : vector<1x16xf32> to vector<16xf32>
      %swap3A_55 = vector.shape_cast %broadcast_in_dim3A_50 : vector<16xf32> to vector<1x16xf32>
      tpu.vector_store %arg8[%swap3A_51, %swap3A_52], %swap3A_55 {strides = array<i32>} : memref<128x128xf32, #tpu.memory_space<vmem>>, vector<1x16xf32>,
      %broadcast_in_dim3A_56 = arith.constant 0.000000e+00 : f32
      %broadcast_in_dim3A_57 = vector.broadcast %broadcast_in_dim3A_56 : f32 to vector<16xf32>
      %swap3A_58 = arith.index_cast %add3A_22 : i32 to index
      %swap3A_59 = arith.constant 80 : index
      %swap3A_60 = tpu.vector_load %arg8[%swap3A_58, %swap3A_59] {strides = array<i32>} : memref<128x128xf32, #tpu.memory_space<vmem>>, vector<1x16xf32>,
      %swap3A_61 = vector.shape_cast %swap3A_60 : vector<1x16xf32> to vector<16xf32>
      %swap3A_62 = vector.shape_cast %broadcast_in_dim3A_57 : vector<16xf32> to vector<1x16xf32>
      tpu.vector_store %arg8[%swap3A_58, %swap3A_59], %swap3A_62 {strides = array<i32>} : memref<128x128xf32, #tpu.memory_space<vmem>>, vector<1x16xf32>,
      %broadcast_in_dim3A_63 = arith.constant 0.000000e+00 : f32
      %broadcast_in_dim3A_64 = vector.broadcast %broadcast_in_dim3A_63 : f32 to vector<16xf32>
      %swap3A_65 = arith.index_cast %add3A_22 : i32 to index
      %swap3A_66 = arith.constant 96 : index
      %swap3A_67 = tpu.vector_load %arg8[%swap3A_65, %swap3A_66] {strides = array<i32>} : memref<128x128xf32, #tpu.memory_space<vmem>>, vector<1x16xf32>,
      %swap3A_68 = vector.shape_cast %swap3A_67 : vector<1x16xf32> to vector<16xf32>
      %swap3A_69 = vector.shape_cast %broadcast_in_dim3A_64 : vector<16xf32> to vector<1x16xf32>
      tpu.vector_store %arg8[%swap3A_65, %swap3A_66], %swap3A_69 {strides = array<i32>} : memref<128x128xf32, #tpu.memory_space<vmem>>, vector<1x16xf32>,
      %broadcast_in_dim3A_70 = arith.constant 0.000000e+00 : f32
      %broadcast_in_dim3A_71 = vector.broadcast %broadcast_in_dim3A_70 : f32 to vector<16xf32>
      %swap3A_72 = arith.index_cast %add3A_22 : i32 to index
      %swap3A_73 = arith.constant 112 : index
      %swap3A_74 = tpu.vector_load %arg8[%swap3A_72, %swap3A_73] {strides = array<i32>} : memref<128x128xf32, #tpu.memory_space<vmem>>, vector<1x16xf32>,
      %swap3A_75 = vector.shape_cast %swap3A_74 : vector<1x16xf32> to vector<16xf32>
      %swap3A_76 = vector.shape_cast %broadcast_in_dim3A_71 : vector<16xf32> to vector<1x16xf32>
      tpu.vector_store %arg8[%swap3A_72, %swap3A_73], %swap3A_76 {strides = array<i32>} : memref<128x128xf32, #tpu.memory_space<vmem>>, vector<1x16xf32>,
    }
    %scan3A_4 = arith.constant 128 : i32
    %mul3A_5 = arith.constant 640 : i32
    %mul3A_6 = arith.muli %arg1, %mul3A_5 : i32
    %scan3A_7 = arith.constant 0 : i32
    %scan3A_8 = arith.constant 5 : i32
    %scan3A_9 = arith.addi %scan3A_7, %scan3A_8 : i32
    %scan3A_10 = arith.constant 1 : i32
    scf.for %scan3A_18 = %scan3A_7 to %scan3A_9 step %scan3A_10  : i32 {
      %mul3A_19 = arith.constant 1 : i32
      %mul3A_20 = arith.muli %scan3A_18, %mul3A_19 : i32
      %add3A_21 = arith.constant 0 : i32
      %add3A_22 = arith.addi %add3A_21, %mul3A_20 : i32
      %mul3A_23 = arith.constant 128 : i32
      %mul3A_24 = arith.muli %add3A_22, %mul3A_23 : i32
      %add3A_25 = arith.addi %mul3A_6, %mul3A_24 : i32
      "tpu.region"() ({
        %run_scoped3A = tpu.sem_alloc : memref<!tpu.dma_semaphore, #tpu.memory_space<semaphore_mem>>
        %dma_start3A = arith.constant 0 : i32
        %dma_start3A_26 = tpu.memref_slice %arg9[%add3A_25, %dma_start3A] : memref<10240x128xf32, #tpu.memory_space<vmem_shared>> -> memref<128x128xf32, #tpu.memory_space<vmem_shared>>
        %dma_start3A_27 = arith.constant 0 : i32
        %dma_start3A_28 = tpu.memref_slice %arg9[%add3A_25, %dma_start3A_27] : memref<10240x128xf32, #tpu.memory_space<vmem_shared>> -> memref<128x128xf32, #tpu.memory_space<vmem_shared>>
        tpu.enqueue_dma source(%arg8 : memref<128x128xf32, #tpu.memory_space<vmem>>) target(%dma_start3A_28 : memref<128x128xf32, #tpu.memory_space<vmem_shared>>) target_semaphore(%run_scoped3A : memref<!tpu.dma_semaphore, #tpu.memory_space<semaphore_mem>>)
        %dma_wait3A = arith.constant 0 : i32
        %dma_wait3A_29 = tpu.memref_slice %arg9[%add3A_25, %dma_wait3A] : memref<10240x128xf32, #tpu.memory_space<vmem_shared>> -> memref<128x128xf32, #tpu.memory_space<vmem_shared>>
        %dma_wait3A_30 = arith.constant 0 : i32
        %dma_wait3A_31 = tpu.memref_slice %arg9[%add3A_25, %dma_wait3A_30] : memref<10240x128xf32, #tpu.memory_space<vmem_shared>> -> memref<128x128xf32, #tpu.memory_space<vmem_shared>>
        tpu.wait_dma2 semaphore(%run_scoped3A : memref<!tpu.dma_semaphore, #tpu.memory_space<semaphore_mem>>) src(%arg8 : memref<128x128xf32, #tpu.memory_space<vmem>>) dst(%dma_wait3A_31 : memref<128x128xf32, #tpu.memory_space<vmem_shared>>)
        tpu.yield
      }) : () -> ()
    }
    %scan3A_11 = arith.constant 5 : i32
    %barrier3A = arith.constant 0 : index
    tpu.barrier barrier_id(%barrier3A)
    "tpu.region"() ({
      %run_scoped3A = tpu.sem_alloc : memref<!tpu.dma_semaphore, #tpu.memory_space<semaphore_mem>>
      %dma_start3A = arith.constant 0 : i32
      %dma_start3A_18 = arith.constant 0 : i32
      %dma_start3A_19 = tpu.memref_slice %arg3[%add3A, %dma_start3A, %dma_start3A_18] : memref<32x79x128xi32, #tpu.memory_space<hbm>> -> memref<1x79x128xi32, #tpu.memory_space<hbm>>
      %dma_start3A_20 = tpu.memref_squeeze %dma_start3A_19 : memref<1x79x128xi32, #tpu.memory_space<hbm>> -> memref<79x128xi32, #tpu.memory_space<hbm>>
      %dma_start3A_21 = arith.constant 0 : i32
      %dma_start3A_22 = arith.constant 0 : i32
      %dma_start3A_23 = tpu.memref_slice %arg3[%add3A, %dma_start3A_21, %dma_start3A_22] : memref<32x79x128xi32, #tpu.memory_space<hbm>> -> memref<1x79x128xi32, #tpu.memory_space<hbm>>
      %dma_start3A_24 = tpu.memref_squeeze %dma_start3A_23 : memref<1x79x128xi32, #tpu.memory_space<hbm>> -> memref<79x128xi32, #tpu.memory_space<hbm>>
      tpu.enqueue_dma source(%dma_start3A_24 : memref<79x128xi32, #tpu.memory_space<hbm>>) target(%arg6 : memref<79x128xi32, #tpu.memory_space<vmem>>) target_semaphore(%run_scoped3A : memref<!tpu.dma_semaphore, #tpu.memory_space<semaphore_mem>>)
      %dma_wait3A = arith.constant 0 : i32
      %dma_wait3A_25 = arith.constant 0 : i32
      %dma_wait3A_26 = tpu.memref_slice %arg3[%add3A, %dma_wait3A, %dma_wait3A_25] : memref<32x79x128xi32, #tpu.memory_space<hbm>> -> memref<1x79x128xi32, #tpu.memory_space<hbm>>
      %dma_wait3A_27 = tpu.memref_squeeze %dma_wait3A_26 : memref<1x79x128xi32, #tpu.memory_space<hbm>> -> memref<79x128xi32, #tpu.memory_space<hbm>>
      %dma_wait3A_28 = arith.constant 0 : i32
      %dma_wait3A_29 = arith.constant 0 : i32
      %dma_wait3A_30 = tpu.memref_slice %arg3[%add3A, %dma_wait3A_28, %dma_wait3A_29] : memref<32x79x128xi32, #tpu.memory_space<hbm>> -> memref<1x79x128xi32, #tpu.memory_space<hbm>>
      %dma_wait3A_31 = tpu.memref_squeeze %dma_wait3A_30 : memref<1x79x128xi32, #tpu.memory_space<hbm>> -> memref<79x128xi32, #tpu.memory_space<hbm>>
      tpu.wait_dma2 semaphore(%run_scoped3A : memref<!tpu.dma_semaphore, #tpu.memory_space<semaphore_mem>>) src(%dma_wait3A_31 : memref<79x128xi32, #tpu.memory_space<hbm>>) dst(%arg6 : memref<79x128xi32, #tpu.memory_space<vmem>>)
      tpu.yield
    }) : () -> ()
    "tpu.region"() ({
      %run_scoped3A = tpu.sem_alloc : memref<!tpu.dma_semaphore, #tpu.memory_space<semaphore_mem>>
      %dma_start3A = arith.constant 0 : i32
      %dma_start3A_18 = arith.constant 0 : i32
      %dma_start3A_19 = tpu.memref_slice %arg4[%add3A, %dma_start3A, %dma_start3A_18] : memref<32x79x128xi32, #tpu.memory_space<hbm>> -> memref<1x79x128xi32, #tpu.memory_space<hbm>>
      %dma_start3A_20 = tpu.memref_squeeze %dma_start3A_19 : memref<1x79x128xi32, #tpu.memory_space<hbm>> -> memref<79x128xi32, #tpu.memory_space<hbm>>
      %dma_start3A_21 = arith.constant 0 : i32
      %dma_start3A_22 = arith.constant 0 : i32
      %dma_start3A_23 = tpu.memref_slice %arg4[%add3A, %dma_start3A_21, %dma_start3A_22] : memref<32x79x128xi32, #tpu.memory_space<hbm>> -> memref<1x79x128xi32, #tpu.memory_space<hbm>>
      %dma_start3A_24 = tpu.memref_squeeze %dma_start3A_23 : memref<1x79x128xi32, #tpu.memory_space<hbm>> -> memref<79x128xi32, #tpu.memory_space<hbm>>
      tpu.enqueue_dma source(%dma_start3A_24 : memref<79x128xi32, #tpu.memory_space<hbm>>) target(%arg7 : memref<79x128xi32, #tpu.memory_space<vmem>>) target_semaphore(%run_scoped3A : memref<!tpu.dma_semaphore, #tpu.memory_space<semaphore_mem>>)
      %dma_wait3A = arith.constant 0 : i32
      %dma_wait3A_25 = arith.constant 0 : i32
      %dma_wait3A_26 = tpu.memref_slice %arg4[%add3A, %dma_wait3A, %dma_wait3A_25] : memref<32x79x128xi32, #tpu.memory_space<hbm>> -> memref<1x79x128xi32, #tpu.memory_space<hbm>>
      %dma_wait3A_27 = tpu.memref_squeeze %dma_wait3A_26 : memref<1x79x128xi32, #tpu.memory_space<hbm>> -> memref<79x128xi32, #tpu.memory_space<hbm>>
      %dma_wait3A_28 = arith.constant 0 : i32
      %dma_wait3A_29 = arith.constant 0 : i32
      %dma_wait3A_30 = tpu.memref_slice %arg4[%add3A, %dma_wait3A_28, %dma_wait3A_29] : memref<32x79x128xi32, #tpu.memory_space<hbm>> -> memref<1x79x128xi32, #tpu.memory_space<hbm>>
      %dma_wait3A_31 = tpu.memref_squeeze %dma_wait3A_30 : memref<1x79x128xi32, #tpu.memory_space<hbm>> -> memref<79x128xi32, #tpu.memory_space<hbm>>
      tpu.wait_dma2 semaphore(%run_scoped3A : memref<!tpu.dma_semaphore, #tpu.memory_space<semaphore_mem>>) src(%dma_wait3A_31 : memref<79x128xi32, #tpu.memory_space<hbm>>) dst(%arg7 : memref<79x128xi32, #tpu.memory_space<vmem>>)
      tpu.yield
    }) : () -> ()
    %scan3A_12 = arith.constant 0 : i32
    %scan3A_13 = arith.constant 79 : i32
    %scan3A_14 = arith.addi %scan3A_12, %scan3A_13 : i32
    %scan3A_15 = arith.constant 1 : i32
    scf.for %scan3A_18 = %scan3A_12 to %scan3A_14 step %scan3A_15  : i32 {
      %mul3A_19 = arith.constant 1 : i32
      %mul3A_20 = arith.muli %scan3A_18, %mul3A_19 : i32
      %add3A_21 = arith.constant 0 : i32
      %add3A_22 = arith.addi %add3A_21, %mul3A_20 : i32
      "tpu.region"() ({
        %run_scoped3A = tpu.sem_alloc : memref<!tpu.dma_semaphore, #tpu.memory_space<semaphore_mem>>
        %dma_start3A = arith.constant 0 : i32
        %dma_start3A_23 = tpu.memref_slice %arg6[%add3A_22, %dma_start3A] : memref<79x128xi32, #tpu.memory_space<vmem>> -> memref<1x128xi32, #tpu.memory_space<vmem>>
        %dma_start3A_24 = tpu.memref_squeeze %dma_start3A_23 : memref<1x128xi32, #tpu.memory_space<vmem>> -> memref<128xi32, #tpu.memory_space<vmem>>
        %dma_start3A_25 = arith.constant 0 : i32
        %dma_start3A_26 = arith.constant 0 : i32
        %dma_start3A_27 = tpu.memref_slice %arg2[%dma_start3A_25, %dma_start3A_26] : memref<10000x128xf32, #tpu.memory_space<hbm>> -> memref<10000x128xf32, #tpu.memory_space<hbm>>
        tpu.enqueue_indirect_dma source(%dma_start3A_27 : memref<10000x128xf32, #tpu.memory_space<hbm>>) target(%arg8 : memref<128x128xf32, #tpu.memory_space<vmem>>) offsets(%dma_start3A_24 : memref<128xi32, #tpu.memory_space<vmem>>) semaphore(%run_scoped3A : memref<!tpu.dma_semaphore, #tpu.memory_space<semaphore_mem>>)
        %dma_wait3A = arith.constant 0 : i32
        %dma_wait3A_28 = tpu.memref_slice %arg6[%add3A_22, %dma_wait3A] : memref<79x128xi32, #tpu.memory_space<vmem>> -> memref<1x128xi32, #tpu.memory_space<vmem>>
        %dma_wait3A_29 = tpu.memref_squeeze %dma_wait3A_28 : memref<1x128xi32, #tpu.memory_space<vmem>> -> memref<128xi32, #tpu.memory_space<vmem>>
        %dma_wait3A_30 = arith.constant 0 : i32
        %dma_wait3A_31 = arith.constant 0 : i32
        %dma_wait3A_32 = tpu.memref_slice %arg2[%dma_wait3A_30, %dma_wait3A_31] : memref<10000x128xf32, #tpu.memory_space<hbm>> -> memref<10000x128xf32, #tpu.memory_space<hbm>>
        tpu.wait_indirect_dma semaphore(%run_scoped3A : memref<!tpu.dma_semaphore, #tpu.memory_space<semaphore_mem>>) src(%dma_wait3A_32 : memref<10000x128xf32, #tpu.memory_space<hbm>>) dst(%arg8 : memref<128x128xf32, #tpu.memory_space<vmem>>)
        tpu.yield
      }) : () -> ()
      "tpu.region"() ({
        %run_scoped3A = tpu.sem_alloc : memref<!tpu.dma_semaphore, #tpu.memory_space<semaphore_mem>>
        %dma_start3A = arith.constant 0 : i32
        %dma_start3A_23 = tpu.memref_slice %arg7[%add3A_22, %dma_start3A] : memref<79x128xi32, #tpu.memory_space<vmem>> -> memref<1x128xi32, #tpu.memory_space<vmem>>
        %dma_start3A_24 = tpu.memref_squeeze %dma_start3A_23 : memref<1x128xi32, #tpu.memory_space<vmem>> -> memref<128xi32, #tpu.memory_space<vmem>>
        %dma_start3A_25 = arith.constant 0 : i32
        %dma_start3A_26 = arith.constant 0 : i32
        %dma_start3A_27 = tpu.memref_slice %arg9[%dma_start3A_25, %dma_start3A_26] : memref<10240x128xf32, #tpu.memory_space<vmem_shared>> -> memref<10240x128xf32, #tpu.memory_space<vmem_shared>>
        tpu.enqueue_indirect_dma source(%arg8 : memref<128x128xf32, #tpu.memory_space<vmem>>) target(%dma_start3A_27 : memref<10240x128xf32, #tpu.memory_space<vmem_shared>>) offsets(%dma_start3A_24 : memref<128xi32, #tpu.memory_space<vmem>>) semaphore(%run_scoped3A : memref<!tpu.dma_semaphore, #tpu.memory_space<semaphore_mem>>) {add = true}
        %dma_wait3A = arith.constant 0 : i32
        %dma_wait3A_28 = tpu.memref_slice %arg7[%add3A_22, %dma_wait3A] : memref<79x128xi32, #tpu.memory_space<vmem>> -> memref<1x128xi32, #tpu.memory_space<vmem>>
        %dma_wait3A_29 = tpu.memref_squeeze %dma_wait3A_28 : memref<1x128xi32, #tpu.memory_space<vmem>> -> memref<128xi32, #tpu.memory_space<vmem>>
        %dma_wait3A_30 = arith.constant 0 : i32
        %dma_wait3A_31 = arith.constant 0 : i32
        %dma_wait3A_32 = tpu.memref_slice %arg9[%dma_wait3A_30, %dma_wait3A_31] : memref<10240x128xf32, #tpu.memory_space<vmem_shared>> -> memref<10240x128xf32, #tpu.memory_space<vmem_shared>>
        tpu.wait_indirect_dma semaphore(%run_scoped3A : memref<!tpu.dma_semaphore, #tpu.memory_space<semaphore_mem>>) src(%arg8 : memref<128x128xf32, #tpu.memory_space<vmem>>) dst(%dma_wait3A_32 : memref<10240x128xf32, #tpu.memory_space<vmem_shared>>)
        tpu.yield
      }) : () -> ()
    }
    %scan3A_16 = arith.constant 79 : i32
    %barrier3A_17 = arith.constant 0 : index
    tpu.barrier barrier_id(%barrier3A_17)
    "tpu.region"() ({
      %run_scoped3A = tpu.sem_alloc : memref<!tpu.dma_semaphore, #tpu.memory_space<semaphore_mem>>
      %dma_start3A = arith.constant 0 : i32
      %dma_start3A_18 = tpu.memref_slice %arg5[%arg0, %mul3A_6, %dma_start3A] : memref<2x10240x128xf32, #tpu.memory_space<hbm>> -> memref<1x640x128xf32, #tpu.memory_space<hbm>>
      %dma_start3A_19 = tpu.memref_squeeze %dma_start3A_18 : memref<1x640x128xf32, #tpu.memory_space<hbm>> -> memref<640x128xf32, #tpu.memory_space<hbm>>
      %dma_start3A_20 = arith.constant 0 : i32
      %dma_start3A_21 = tpu.memref_slice %arg9[%mul3A_6, %dma_start3A_20] : memref<10240x128xf32, #tpu.memory_space<vmem_shared>> -> memref<640x128xf32, #tpu.memory_space<vmem_shared>>
      tpu.enqueue_dma source(%dma_start3A_21 : memref<640x128xf32, #tpu.memory_space<vmem_shared>>) target(%dma_start3A_19 : memref<640x128xf32, #tpu.memory_space<hbm>>) target_semaphore(%run_scoped3A : memref<!tpu.dma_semaphore, #tpu.memory_space<semaphore_mem>>)
      %dma_wait3A = arith.constant 0 : i32
      %dma_wait3A_22 = tpu.memref_slice %arg5[%arg0, %mul3A_6, %dma_wait3A] : memref<2x10240x128xf32, #tpu.memory_space<hbm>> -> memref<1x640x128xf32, #tpu.memory_space<hbm>>
      %dma_wait3A_23 = tpu.memref_squeeze %dma_wait3A_22 : memref<1x640x128xf32, #tpu.memory_space<hbm>> -> memref<640x128xf32, #tpu.memory_space<hbm>>
      %dma_wait3A_24 = arith.constant 0 : i32
      %dma_wait3A_25 = tpu.memref_slice %arg9[%mul3A_6, %dma_wait3A_24] : memref<10240x128xf32, #tpu.memory_space<vmem_shared>> -> memref<640x128xf32, #tpu.memory_space<vmem_shared>>
      tpu.wait_dma2 semaphore(%run_scoped3A : memref<!tpu.dma_semaphore, #tpu.memory_space<semaphore_mem>>) src(%dma_wait3A_25 : memref<640x128xf32, #tpu.memory_space<vmem_shared>>) dst(%dma_wait3A_23 : memref<640x128xf32, #tpu.memory_space<hbm>>)
      tpu.yield
    }) : () -> ()
    return
  }
}

#map = affine_map<(d0, d1) -> (0, 0)>
#map1 = affine_map<(d0, d1) -> (0, 0, 0)>
module attributes {stable_mosaic.version = 14 : i64} {
  func.func @_edge_kernel(%arg0: i32, %arg1: i32, %arg2: memref<10000x128xf32, #tpu.memory_space<hbm>>, %arg3: memref<32x79x128xi32, #tpu.memory_space<hbm>>, %arg4: memref<32x79x128xi32, #tpu.memory_space<hbm>>, %arg5: memref<2x10240x128xf32, #tpu.memory_space<hbm>>, %arg6: memref<79x128xi32, #tpu.memory_space<vmem>>, %arg7: memref<79x128xi32, #tpu.memory_space<vmem>>, %arg8: memref<128x128xf32, #tpu.memory_space<vmem>>, %arg9: memref<10240x128xf32, #tpu.memory_space<vmem_shared>>) attributes {dimension_semantics = [#tpu.dimension_semantics<core_parallel>, #tpu.dimension_semantics<subcore_parallel>], iteration_bounds = array<i64: 2, 16>, scalar_prefetch = 0 : i64, scratch_operands = 4 : i64, tpu.core_type = #tpu.core_type<sc_vector_subcore>, window_params = [{transform_indices = #map}, {transform_indices = #map1}, {transform_indices = #map1}, {transform_indices = #map1}]} {
    %mul3A = arith.constant 16 : i32
    %mul3A_0 = arith.muli %arg0, %mul3A : i32
    %add3A = arith.addi %mul3A_0, %arg1 : i32
    %scan3A = arith.constant 0 : i32
    %scan3A_1 = arith.constant 128 : i32
    %scan3A_2 = arith.addi %scan3A, %scan3A_1 : i32
    %scan3A_3 = arith.constant 1 : i32
    scf.for %scan3A_18 = %scan3A to %scan3A_2 step %scan3A_3  : i32 {
      %mul3A_19 = arith.constant 1 : i32
      %mul3A_20 = arith.muli %scan3A_18, %mul3A_19 : i32
      %add3A_21 = arith.constant 0 : i32
      %add3A_22 = arith.addi %add3A_21, %mul3A_20 : i32
      %broadcast_in_dim3A = arith.constant 0.000000e+00 : f32
      %broadcast_in_dim3A_23 = vector.broadcast %broadcast_in_dim3A : f32 to vector<16xf32>
      %swap3A = arith.index_cast %add3A_22 : i32 to index
      %swap3A_24 = arith.constant 0 : index
      %swap3A_25 = tpu.vector_load %arg8[%swap3A, %swap3A_24] {strides = array<i32>} : memref<128x128xf32, #tpu.memory_space<vmem>>, vector<1x16xf32>,
      %swap3A_26 = vector.shape_cast %swap3A_25 : vector<1x16xf32> to vector<16xf32>
      %swap3A_27 = vector.shape_cast %broadcast_in_dim3A_23 : vector<16xf32> to vector<1x16xf32>
      tpu.vector_store %arg8[%swap3A, %swap3A_24], %swap3A_27 {strides = array<i32>} : memref<128x128xf32, #tpu.memory_space<vmem>>, vector<1x16xf32>,
      %broadcast_in_dim3A_28 = arith.constant 0.000000e+00 : f32
      %broadcast_in_dim3A_29 = vector.broadcast %broadcast_in_dim3A_28 : f32 to vector<16xf32>
      %swap3A_30 = arith.index_cast %add3A_22 : i32 to index
      %swap3A_31 = arith.constant 16 : index
      %swap3A_32 = tpu.vector_load %arg8[%swap3A_30, %swap3A_31] {strides = array<i32>} : memref<128x128xf32, #tpu.memory_space<vmem>>, vector<1x16xf32>,
      %swap3A_33 = vector.shape_cast %swap3A_32 : vector<1x16xf32> to vector<16xf32>
      %swap3A_34 = vector.shape_cast %broadcast_in_dim3A_29 : vector<16xf32> to vector<1x16xf32>
      tpu.vector_store %arg8[%swap3A_30, %swap3A_31], %swap3A_34 {strides = array<i32>} : memref<128x128xf32, #tpu.memory_space<vmem>>, vector<1x16xf32>,
      %broadcast_in_dim3A_35 = arith.constant 0.000000e+00 : f32
      %broadcast_in_dim3A_36 = vector.broadcast %broadcast_in_dim3A_35 : f32 to vector<16xf32>
      %swap3A_37 = arith.index_cast %add3A_22 : i32 to index
      %swap3A_38 = arith.constant 32 : index
      %swap3A_39 = tpu.vector_load %arg8[%swap3A_37, %swap3A_38] {strides = array<i32>} : memref<128x128xf32, #tpu.memory_space<vmem>>, vector<1x16xf32>,
      %swap3A_40 = vector.shape_cast %swap3A_39 : vector<1x16xf32> to vector<16xf32>
      %swap3A_41 = vector.shape_cast %broadcast_in_dim3A_36 : vector<16xf32> to vector<1x16xf32>
      tpu.vector_store %arg8[%swap3A_37, %swap3A_38], %swap3A_41 {strides = array<i32>} : memref<128x128xf32, #tpu.memory_space<vmem>>, vector<1x16xf32>,
      %broadcast_in_dim3A_42 = arith.constant 0.000000e+00 : f32
      %broadcast_in_dim3A_43 = vector.broadcast %broadcast_in_dim3A_42 : f32 to vector<16xf32>
      %swap3A_44 = arith.index_cast %add3A_22 : i32 to index
      %swap3A_45 = arith.constant 48 : index
      %swap3A_46 = tpu.vector_load %arg8[%swap3A_44, %swap3A_45] {strides = array<i32>} : memref<128x128xf32, #tpu.memory_space<vmem>>, vector<1x16xf32>,
      %swap3A_47 = vector.shape_cast %swap3A_46 : vector<1x16xf32> to vector<16xf32>
      %swap3A_48 = vector.shape_cast %broadcast_in_dim3A_43 : vector<16xf32> to vector<1x16xf32>
      tpu.vector_store %arg8[%swap3A_44, %swap3A_45], %swap3A_48 {strides = array<i32>} : memref<128x128xf32, #tpu.memory_space<vmem>>, vector<1x16xf32>,
      %broadcast_in_dim3A_49 = arith.constant 0.000000e+00 : f32
      %broadcast_in_dim3A_50 = vector.broadcast %broadcast_in_dim3A_49 : f32 to vector<16xf32>
      %swap3A_51 = arith.index_cast %add3A_22 : i32 to index
      %swap3A_52 = arith.constant 64 : index
      %swap3A_53 = tpu.vector_load %arg8[%swap3A_51, %swap3A_52] {strides = array<i32>} : memref<128x128xf32, #tpu.memory_space<vmem>>, vector<1x16xf32>,
      %swap3A_54 = vector.shape_cast %swap3A_53 : vector<1x16xf32> to vector<16xf32>
      %swap3A_55 = vector.shape_cast %broadcast_in_dim3A_50 : vector<16xf32> to vector<1x16xf32>
      tpu.vector_store %arg8[%swap3A_51, %swap3A_52], %swap3A_55 {strides = array<i32>} : memref<128x128xf32, #tpu.memory_space<vmem>>, vector<1x16xf32>,
      %broadcast_in_dim3A_56 = arith.constant 0.000000e+00 : f32
      %broadcast_in_dim3A_57 = vector.broadcast %broadcast_in_dim3A_56 : f32 to vector<16xf32>
      %swap3A_58 = arith.index_cast %add3A_22 : i32 to index
      %swap3A_59 = arith.constant 80 : index
      %swap3A_60 = tpu.vector_load %arg8[%swap3A_58, %swap3A_59] {strides = array<i32>} : memref<128x128xf32, #tpu.memory_space<vmem>>, vector<1x16xf32>,
      %swap3A_61 = vector.shape_cast %swap3A_60 : vector<1x16xf32> to vector<16xf32>
      %swap3A_62 = vector.shape_cast %broadcast_in_dim3A_57 : vector<16xf32> to vector<1x16xf32>
      tpu.vector_store %arg8[%swap3A_58, %swap3A_59], %swap3A_62 {strides = array<i32>} : memref<128x128xf32, #tpu.memory_space<vmem>>, vector<1x16xf32>,
      %broadcast_in_dim3A_63 = arith.constant 0.000000e+00 : f32
      %broadcast_in_dim3A_64 = vector.broadcast %broadcast_in_dim3A_63 : f32 to vector<16xf32>
      %swap3A_65 = arith.index_cast %add3A_22 : i32 to index
      %swap3A_66 = arith.constant 96 : index
      %swap3A_67 = tpu.vector_load %arg8[%swap3A_65, %swap3A_66] {strides = array<i32>} : memref<128x128xf32, #tpu.memory_space<vmem>>, vector<1x16xf32>,
      %swap3A_68 = vector.shape_cast %swap3A_67 : vector<1x16xf32> to vector<16xf32>
      %swap3A_69 = vector.shape_cast %broadcast_in_dim3A_64 : vector<16xf32> to vector<1x16xf32>
      tpu.vector_store %arg8[%swap3A_65, %swap3A_66], %swap3A_69 {strides = array<i32>} : memref<128x128xf32, #tpu.memory_space<vmem>>, vector<1x16xf32>,
      %broadcast_in_dim3A_70 = arith.constant 0.000000e+00 : f32
      %broadcast_in_dim3A_71 = vector.broadcast %broadcast_in_dim3A_70 : f32 to vector<16xf32>
      %swap3A_72 = arith.index_cast %add3A_22 : i32 to index
      %swap3A_73 = arith.constant 112 : index
      %swap3A_74 = tpu.vector_load %arg8[%swap3A_72, %swap3A_73] {strides = array<i32>} : memref<128x128xf32, #tpu.memory_space<vmem>>, vector<1x16xf32>,
      %swap3A_75 = vector.shape_cast %swap3A_74 : vector<1x16xf32> to vector<16xf32>
      %swap3A_76 = vector.shape_cast %broadcast_in_dim3A_71 : vector<16xf32> to vector<1x16xf32>
      tpu.vector_store %arg8[%swap3A_72, %swap3A_73], %swap3A_76 {strides = array<i32>} : memref<128x128xf32, #tpu.memory_space<vmem>>, vector<1x16xf32>,
    }
    %scan3A_4 = arith.constant 128 : i32
    %mul3A_5 = arith.constant 640 : i32
    %mul3A_6 = arith.muli %arg1, %mul3A_5 : i32
    %scan3A_7 = arith.constant 0 : i32
    %scan3A_8 = arith.constant 5 : i32
    %scan3A_9 = arith.addi %scan3A_7, %scan3A_8 : i32
    %scan3A_10 = arith.constant 1 : i32
    scf.for %scan3A_18 = %scan3A_7 to %scan3A_9 step %scan3A_10  : i32 {
      %mul3A_19 = arith.constant 1 : i32
      %mul3A_20 = arith.muli %scan3A_18, %mul3A_19 : i32
      %add3A_21 = arith.constant 0 : i32
      %add3A_22 = arith.addi %add3A_21, %mul3A_20 : i32
      %mul3A_23 = arith.constant 128 : i32
      %mul3A_24 = arith.muli %add3A_22, %mul3A_23 : i32
      %add3A_25 = arith.addi %mul3A_6, %mul3A_24 : i32
      "tpu.region"() ({
        %run_scoped3A = tpu.sem_alloc : memref<!tpu.dma_semaphore, #tpu.memory_space<semaphore_mem>>
        %dma_start3A = arith.constant 0 : i32
        %dma_start3A_26 = tpu.memref_slice %arg9[%add3A_25, %dma_start3A] : memref<10240x128xf32, #tpu.memory_space<vmem_shared>> -> memref<128x128xf32, #tpu.memory_space<vmem_shared>>
        %dma_start3A_27 = arith.constant 0 : i32
        %dma_start3A_28 = tpu.memref_slice %arg9[%add3A_25, %dma_start3A_27] : memref<10240x128xf32, #tpu.memory_space<vmem_shared>> -> memref<128x128xf32, #tpu.memory_space<vmem_shared>>
        tpu.enqueue_dma source(%arg8 : memref<128x128xf32, #tpu.memory_space<vmem>>) target(%dma_start3A_28 : memref<128x128xf32, #tpu.memory_space<vmem_shared>>) target_semaphore(%run_scoped3A : memref<!tpu.dma_semaphore, #tpu.memory_space<semaphore_mem>>)
        %dma_wait3A = arith.constant 0 : i32
        %dma_wait3A_29 = tpu.memref_slice %arg9[%add3A_25, %dma_wait3A] : memref<10240x128xf32, #tpu.memory_space<vmem_shared>> -> memref<128x128xf32, #tpu.memory_space<vmem_shared>>
        %dma_wait3A_30 = arith.constant 0 : i32
        %dma_wait3A_31 = tpu.memref_slice %arg9[%add3A_25, %dma_wait3A_30] : memref<10240x128xf32, #tpu.memory_space<vmem_shared>> -> memref<128x128xf32, #tpu.memory_space<vmem_shared>>
        tpu.wait_dma2 semaphore(%run_scoped3A : memref<!tpu.dma_semaphore, #tpu.memory_space<semaphore_mem>>) src(%arg8 : memref<128x128xf32, #tpu.memory_space<vmem>>) dst(%dma_wait3A_31 : memref<128x128xf32, #tpu.memory_space<vmem_shared>>)
        tpu.yield
      }) : () -> ()
    }
    %scan3A_11 = arith.constant 5 : i32
    %barrier3A = arith.constant 0 : index
    tpu.barrier barrier_id(%barrier3A)
    "tpu.region"() ({
      %run_scoped3A = tpu.sem_alloc : memref<!tpu.dma_semaphore, #tpu.memory_space<semaphore_mem>>
      %dma_start3A = arith.constant 0 : i32
      %dma_start3A_18 = arith.constant 0 : i32
      %dma_start3A_19 = tpu.memref_slice %arg3[%add3A, %dma_start3A, %dma_start3A_18] : memref<32x79x128xi32, #tpu.memory_space<hbm>> -> memref<1x79x128xi32, #tpu.memory_space<hbm>>
      %dma_start3A_20 = tpu.memref_squeeze %dma_start3A_19 : memref<1x79x128xi32, #tpu.memory_space<hbm>> -> memref<79x128xi32, #tpu.memory_space<hbm>>
      %dma_start3A_21 = arith.constant 0 : i32
      %dma_start3A_22 = arith.constant 0 : i32
      %dma_start3A_23 = tpu.memref_slice %arg3[%add3A, %dma_start3A_21, %dma_start3A_22] : memref<32x79x128xi32, #tpu.memory_space<hbm>> -> memref<1x79x128xi32, #tpu.memory_space<hbm>>
      %dma_start3A_24 = tpu.memref_squeeze %dma_start3A_23 : memref<1x79x128xi32, #tpu.memory_space<hbm>> -> memref<79x128xi32, #tpu.memory_space<hbm>>
      tpu.enqueue_dma source(%dma_start3A_24 : memref<79x128xi32, #tpu.memory_space<hbm>>) target(%arg6 : memref<79x128xi32, #tpu.memory_space<vmem>>) target_semaphore(%run_scoped3A : memref<!tpu.dma_semaphore, #tpu.memory_space<semaphore_mem>>)
      %dma_wait3A = arith.constant 0 : i32
      %dma_wait3A_25 = arith.constant 0 : i32
      %dma_wait3A_26 = tpu.memref_slice %arg3[%add3A, %dma_wait3A, %dma_wait3A_25] : memref<32x79x128xi32, #tpu.memory_space<hbm>> -> memref<1x79x128xi32, #tpu.memory_space<hbm>>
      %dma_wait3A_27 = tpu.memref_squeeze %dma_wait3A_26 : memref<1x79x128xi32, #tpu.memory_space<hbm>> -> memref<79x128xi32, #tpu.memory_space<hbm>>
      %dma_wait3A_28 = arith.constant 0 : i32
      %dma_wait3A_29 = arith.constant 0 : i32
      %dma_wait3A_30 = tpu.memref_slice %arg3[%add3A, %dma_wait3A_28, %dma_wait3A_29] : memref<32x79x128xi32, #tpu.memory_space<hbm>> -> memref<1x79x128xi32, #tpu.memory_space<hbm>>
      %dma_wait3A_31 = tpu.memref_squeeze %dma_wait3A_30 : memref<1x79x128xi32, #tpu.memory_space<hbm>> -> memref<79x128xi32, #tpu.memory_space<hbm>>
      tpu.wait_dma2 semaphore(%run_scoped3A : memref<!tpu.dma_semaphore, #tpu.memory_space<semaphore_mem>>) src(%dma_wait3A_31 : memref<79x128xi32, #tpu.memory_space<hbm>>) dst(%arg6 : memref<79x128xi32, #tpu.memory_space<vmem>>)
      tpu.yield
    }) : () -> ()
    "tpu.region"() ({
      %run_scoped3A = tpu.sem_alloc : memref<!tpu.dma_semaphore, #tpu.memory_space<semaphore_mem>>
      %dma_start3A = arith.constant 0 : i32
      %dma_start3A_18 = arith.constant 0 : i32
      %dma_start3A_19 = tpu.memref_slice %arg4[%add3A, %dma_start3A, %dma_start3A_18] : memref<32x79x128xi32, #tpu.memory_space<hbm>> -> memref<1x79x128xi32, #tpu.memory_space<hbm>>
      %dma_start3A_20 = tpu.memref_squeeze %dma_start3A_19 : memref<1x79x128xi32, #tpu.memory_space<hbm>> -> memref<79x128xi32, #tpu.memory_space<hbm>>
      %dma_start3A_21 = arith.constant 0 : i32
      %dma_start3A_22 = arith.constant 0 : i32
      %dma_start3A_23 = tpu.memref_slice %arg4[%add3A, %dma_start3A_21, %dma_start3A_22] : memref<32x79x128xi32, #tpu.memory_space<hbm>> -> memref<1x79x128xi32, #tpu.memory_space<hbm>>
      %dma_start3A_24 = tpu.memref_squeeze %dma_start3A_23 : memref<1x79x128xi32, #tpu.memory_space<hbm>> -> memref<79x128xi32, #tpu.memory_space<hbm>>
      tpu.enqueue_dma source(%dma_start3A_24 : memref<79x128xi32, #tpu.memory_space<hbm>>) target(%arg7 : memref<79x128xi32, #tpu.memory_space<vmem>>) target_semaphore(%run_scoped3A : memref<!tpu.dma_semaphore, #tpu.memory_space<semaphore_mem>>)
      %dma_wait3A = arith.constant 0 : i32
      %dma_wait3A_25 = arith.constant 0 : i32
      %dma_wait3A_26 = tpu.memref_slice %arg4[%add3A, %dma_wait3A, %dma_wait3A_25] : memref<32x79x128xi32, #tpu.memory_space<hbm>> -> memref<1x79x128xi32, #tpu.memory_space<hbm>>
      %dma_wait3A_27 = tpu.memref_squeeze %dma_wait3A_26 : memref<1x79x128xi32, #tpu.memory_space<hbm>> -> memref<79x128xi32, #tpu.memory_space<hbm>>
      %dma_wait3A_28 = arith.constant 0 : i32
      %dma_wait3A_29 = arith.constant 0 : i32
      %dma_wait3A_30 = tpu.memref_slice %arg4[%add3A, %dma_wait3A_28, %dma_wait3A_29] : memref<32x79x128xi32, #tpu.memory_space<hbm>> -> memref<1x79x128xi32, #tpu.memory_space<hbm>>
      %dma_wait3A_31 = tpu.memref_squeeze %dma_wait3A_30 : memref<1x79x128xi32, #tpu.memory_space<hbm>> -> memref<79x128xi32, #tpu.memory_space<hbm>>
      tpu.wait_dma2 semaphore(%run_scoped3A : memref<!tpu.dma_semaphore, #tpu.memory_space<semaphore_mem>>) src(%dma_wait3A_31 : memref<79x128xi32, #tpu.memory_space<hbm>>) dst(%arg7 : memref<79x128xi32, #tpu.memory_space<vmem>>)
      tpu.yield
    }) : () -> ()
    %scan3A_12 = arith.constant 0 : i32
    %scan3A_13 = arith.constant 79 : i32
    %scan3A_14 = arith.addi %scan3A_12, %scan3A_13 : i32
    %scan3A_15 = arith.constant 1 : i32
    scf.for %scan3A_18 = %scan3A_12 to %scan3A_14 step %scan3A_15  : i32 {
      %mul3A_19 = arith.constant 1 : i32
      %mul3A_20 = arith.muli %scan3A_18, %mul3A_19 : i32
      %add3A_21 = arith.constant 0 : i32
      %add3A_22 = arith.addi %add3A_21, %mul3A_20 : i32
      "tpu.region"() ({
        %run_scoped3A = tpu.sem_alloc : memref<!tpu.dma_semaphore, #tpu.memory_space<semaphore_mem>>
        %dma_start3A = arith.constant 0 : i32
        %dma_start3A_23 = tpu.memref_slice %arg6[%add3A_22, %dma_start3A] : memref<79x128xi32, #tpu.memory_space<vmem>> -> memref<1x128xi32, #tpu.memory_space<vmem>>
        %dma_start3A_24 = tpu.memref_squeeze %dma_start3A_23 : memref<1x128xi32, #tpu.memory_space<vmem>> -> memref<128xi32, #tpu.memory_space<vmem>>
        %dma_start3A_25 = arith.constant 0 : i32
        %dma_start3A_26 = arith.constant 0 : i32
        %dma_start3A_27 = tpu.memref_slice %arg2[%dma_start3A_25, %dma_start3A_26] : memref<10000x128xf32, #tpu.memory_space<hbm>> -> memref<10000x128xf32, #tpu.memory_space<hbm>>
        tpu.enqueue_indirect_dma source(%dma_start3A_27 : memref<10000x128xf32, #tpu.memory_space<hbm>>) target(%arg8 : memref<128x128xf32, #tpu.memory_space<vmem>>) offsets(%dma_start3A_24 : memref<128xi32, #tpu.memory_space<vmem>>) semaphore(%run_scoped3A : memref<!tpu.dma_semaphore, #tpu.memory_space<semaphore_mem>>)
        %dma_wait3A = arith.constant 0 : i32
        %dma_wait3A_28 = tpu.memref_slice %arg6[%add3A_22, %dma_wait3A] : memref<79x128xi32, #tpu.memory_space<vmem>> -> memref<1x128xi32, #tpu.memory_space<vmem>>
        %dma_wait3A_29 = tpu.memref_squeeze %dma_wait3A_28 : memref<1x128xi32, #tpu.memory_space<vmem>> -> memref<128xi32, #tpu.memory_space<vmem>>
        %dma_wait3A_30 = arith.constant 0 : i32
        %dma_wait3A_31 = arith.constant 0 : i32
        %dma_wait3A_32 = tpu.memref_slice %arg2[%dma_wait3A_30, %dma_wait3A_31] : memref<10000x128xf32, #tpu.memory_space<hbm>> -> memref<10000x128xf32, #tpu.memory_space<hbm>>
        tpu.wait_indirect_dma semaphore(%run_scoped3A : memref<!tpu.dma_semaphore, #tpu.memory_space<semaphore_mem>>) src(%dma_wait3A_32 : memref<10000x128xf32, #tpu.memory_space<hbm>>) dst(%arg8 : memref<128x128xf32, #tpu.memory_space<vmem>>)
        tpu.yield
      }) : () -> ()
      "tpu.region"() ({
        %run_scoped3A = tpu.sem_alloc : memref<!tpu.dma_semaphore, #tpu.memory_space<semaphore_mem>>
        %dma_start3A = arith.constant 0 : i32
        %dma_start3A_23 = tpu.memref_slice %arg7[%add3A_22, %dma_start3A] : memref<79x128xi32, #tpu.memory_space<vmem>> -> memref<1x128xi32, #tpu.memory_space<vmem>>
        %dma_start3A_24 = tpu.memref_squeeze %dma_start3A_23 : memref<1x128xi32, #tpu.memory_space<vmem>> -> memref<128xi32, #tpu.memory_space<vmem>>
        %dma_start3A_25 = arith.constant 0 : i32
        %dma_start3A_26 = arith.constant 0 : i32
        %dma_start3A_27 = tpu.memref_slice %arg9[%dma_start3A_25, %dma_start3A_26] : memref<10240x128xf32, #tpu.memory_space<vmem_shared>> -> memref<10240x128xf32, #tpu.memory_space<vmem_shared>>
        tpu.enqueue_indirect_dma source(%arg8 : memref<128x128xf32, #tpu.memory_space<vmem>>) target(%dma_start3A_27 : memref<10240x128xf32, #tpu.memory_space<vmem_shared>>) offsets(%dma_start3A_24 : memref<128xi32, #tpu.memory_space<vmem>>) semaphore(%run_scoped3A : memref<!tpu.dma_semaphore, #tpu.memory_space<semaphore_mem>>) {add = true}
        %dma_wait3A = arith.constant 0 : i32
        %dma_wait3A_28 = tpu.memref_slice %arg7[%add3A_22, %dma_wait3A] : memref<79x128xi32, #tpu.memory_space<vmem>> -> memref<1x128xi32, #tpu.memory_space<vmem>>
        %dma_wait3A_29 = tpu.memref_squeeze %dma_wait3A_28 : memref<1x128xi32, #tpu.memory_space<vmem>> -> memref<128xi32, #tpu.memory_space<vmem>>
        %dma_wait3A_30 = arith.constant 0 : i32
        %dma_wait3A_31 = arith.constant 0 : i32
        %dma_wait3A_32 = tpu.memref_slice %arg9[%dma_wait3A_30, %dma_wait3A_31] : memref<10240x128xf32, #tpu.memory_space<vmem_shared>> -> memref<10240x128xf32, #tpu.memory_space<vmem_shared>>
        tpu.wait_indirect_dma semaphore(%run_scoped3A : memref<!tpu.dma_semaphore, #tpu.memory_space<semaphore_mem>>) src(%arg8 : memref<128x128xf32, #tpu.memory_space<vmem>>) dst(%dma_wait3A_32 : memref<10240x128xf32, #tpu.memory_space<vmem_shared>>)
        tpu.yield
      }) : () -> ()
    }
    %scan3A_16 = arith.constant 79 : i32
    %barrier3A_17 = arith.constant 0 : index
    tpu.barrier barrier_id(%barrier3A_17)
    "tpu.region"() ({
      %run_scoped3A = tpu.sem_alloc : memref<!tpu.dma_semaphore, #tpu.memory_space<semaphore_mem>>
      %dma_start3A = arith.constant 0 : i32
      %dma_start3A_18 = tpu.memref_slice %arg5[%arg0, %mul3A_6, %dma_start3A] : memref<2x10240x128xf32, #tpu.memory_space<hbm>> -> memref<1x640x128xf32, #tpu.memory_space<hbm>>
      %dma_start3A_19 = tpu.memref_squeeze %dma_start3A_18 : memref<1x640x128xf32, #tpu.memory_space<hbm>> -> memref<640x128xf32, #tpu.memory_space<hbm>>
      %dma_start3A_20 = arith.constant 0 : i32
      %dma_start3A_21 = tpu.memref_slice %arg9[%mul3A_6, %dma_start3A_20] : memref<10240x128xf32, #tpu.memory_space<vmem_shared>> -> memref<640x128xf32, #tpu.memory_space<vmem_shared>>
      tpu.enqueue_dma source(%dma_start3A_21 : memref<640x128xf32, #tpu.memory_space<vmem_shared>>) target(%dma_start3A_19 : memref<640x128xf32, #tpu.memory_space<hbm>>) target_semaphore(%run_scoped3A : memref<!tpu.dma_semaphore, #tpu.memory_space<semaphore_mem>>)
      %dma_wait3A = arith.constant 0 : i32
      %dma_wait3A_22 = tpu.memref_slice %arg5[%arg0, %mul3A_6, %dma_wait3A] : memref<2x10240x128xf32, #tpu.memory_space<hbm>> -> memref<1x640x128xf32, #tpu.memory_space<hbm>>
      %dma_wait3A_23 = tpu.memref_squeeze %dma_wait3A_22 : memref<1x640x128xf32, #tpu.memory_space<hbm>> -> memref<640x128xf32, #tpu.memory_space<hbm>>
      %dma_wait3A_24 = arith.constant 0 : i32
      %dma_wait3A_25 = tpu.memref_slice %arg9[%mul3A_6, %dma_wait3A_24] : memref<10240x128xf32, #tpu.memory_space<vmem_shared>> -> memref<640x128xf32, #tpu.memory_space<vmem_shared>>
      tpu.wait_dma2 semaphore(%run_scoped3A : memref<!tpu.dma_semaphore, #tpu.memory_space<semaphore_mem>>) src(%dma_wait3A_25 : memref<640x128xf32, #tpu.memory_space<vmem_shared>>) dst(%dma_wait3A_23 : memref<640x128xf32, #tpu.memory_space<hbm>>)
      tpu.yield
    }) : () -> ()
    return
  }
}

module attributes {stable_mosaic.version = 14 : i64} {
  func.func @_tc_first_body(%arg0: i32, %arg1: memref<2x2000x16xf32, #tpu.memory_space<vmem>>, %arg2: memref<2000x128xf32, #tpu.memory_space<vmem>>, %arg3: memref<128x128xf32, #tpu.memory_space<vmem>>, %arg4: memref<2000x1xf32, #tpu.memory_space<vmem>>, %arg5: memref<2000x128xf32, #tpu.memory_space<vmem>>) attributes {dimension_semantics = [#tpu.dimension_semantics<arbitrary>], iteration_bounds = array<i64: 5>, scalar_prefetch = 0 : i64, scratch_operands = 0 : i64, tpu.core_type = #tpu.core_type<tc>, window_params = [{transform_indices = @transform_0, window_bounds = array<i64: 2, 2000, 16>}, {transform_indices = @transform_1, window_bounds = array<i64: 2000, 128>}, {pipeline_mode = #tpu.pipeline_mode<synchronous>, transform_indices = @transform_2, window_bounds = array<i64: 128, 128>}, {transform_indices = @transform_3, window_bounds = array<i64: 2000, 1>}, {transform_indices = @transform_4, window_bounds = array<i64: 2000, 128>}]} {
    %get3A = arith.constant 0 : index
    %get3A_0 = arith.constant 0 : index
    %get3A_1 = arith.constant 0 : index
    %get3A_2 = vector.load %arg1[%get3A, %get3A_0, %get3A_1] : memref<2x2000x16xf32, #tpu.memory_space<vmem>>, vector<1x2000x1xf32>
    %get3A_3 = vector.shape_cast %get3A_2 : vector<1x2000x1xf32> to vector<2000x1xf32>
    %get3A_4 = arith.constant 1 : index
    %get3A_5 = arith.constant 0 : index
    %get3A_6 = arith.constant 0 : index
    %get3A_7 = vector.load %arg1[%get3A_4, %get3A_5, %get3A_6] : memref<2x2000x16xf32, #tpu.memory_space<vmem>>, vector<1x2000x1xf32>
    %get3A_8 = vector.shape_cast %get3A_7 : vector<1x2000x1xf32> to vector<2000x1xf32>
    %add3A = arith.addf %get3A_3, %get3A_8 : vector<2000x1xf32>
    %add3A_9 = arith.constant 1.000000e+00 : f32
    %add3A_10 = vector.broadcast %add3A_9 : f32 to vector<2000x1xf32>
    %add3A_11 = arith.addf %add3A, %add3A_10 : vector<2000x1xf32>
    %rsqrt3A = math.rsqrt %add3A_11 : vector<2000x1xf32>
    %swap3A = arith.constant 0 : index
    %swap3A_12 = arith.constant 0 : index
    %swap3A_13 = vector.load %arg4[%swap3A, %swap3A_12] : memref<2000x1xf32, #tpu.memory_space<vmem>>, vector<2000x1xf32>
    tpu.vector_store %arg4[%swap3A, %swap3A_12], %rsqrt3A {strides = array<i32>} : memref<2000x1xf32, #tpu.memory_space<vmem>>, vector<2000x1xf32>,
    %get3A_14 = arith.constant 0 : index
    %get3A_15 = arith.constant 0 : index
    %get3A_16 = vector.load %arg2[%get3A_14, %get3A_15] : memref<2000x128xf32, #tpu.memory_space<vmem>>, vector<2000x128xf32>
    %get3A_17 = arith.constant 0 : index
    %get3A_18 = arith.constant 0 : index
    %get3A_19 = vector.load %arg3[%get3A_17, %get3A_18] : memref<128x128xf32, #tpu.memory_space<vmem>>, vector<128x128xf32>
    %dot_general3A = arith.constant dense<0.000000e+00> : vector<2000x128xf32>
    %dot_general3A_20 = tpu.matmul %get3A_16, %get3A_19, %dot_general3A {dimension_numbers = #tpu.dot_dimension_numbers<[1], [0], [0], [1], [0, 0, 1, 1], [], []>, transpose_lhs_hint = false} : vector<2000x128xf32>, vector<128x128xf32>, vector<2000x128xf32> -> vector<2000x128xf32>
    %mul3A = vector.broadcast %rsqrt3A : vector<2000x1xf32> to vector<2000x128xf32>
    %mul3A_21 = arith.mulf %dot_general3A_20, %mul3A : vector<2000x128xf32>
    %swap3A_22 = arith.constant 0 : index
    %swap3A_23 = arith.constant 0 : index
    %swap3A_24 = vector.load %arg5[%swap3A_22, %swap3A_23] : memref<2000x128xf32, #tpu.memory_space<vmem>>, vector<2000x128xf32>
    tpu.vector_store %arg5[%swap3A_22, %swap3A_23], %mul3A_21 {strides = array<i32>} : memref<2000x128xf32, #tpu.memory_space<vmem>>, vector<2000x128xf32>,
    return
  }
  func.func @transform_0(%arg0: i32) -> (i32, i32, i32) {
    %c0_i32 = arith.constant 0 : i32
    %c0_i32_0 = arith.constant 0 : i32
    %c0_i32_1 = arith.constant 0 : i32
    return %c0_i32, %arg0, %c0_i32_0 : i32, i32, i32
  }
  func.func @transform_1(%arg0: i32) -> (i32, i32) {
    %c0_i32 = arith.constant 0 : i32
    %c0_i32_0 = arith.constant 0 : i32
    return %arg0, %c0_i32 : i32, i32
  }
  func.func @transform_2(%arg0: i32) -> (i32, i32) {
    %c0_i32 = arith.constant 0 : i32
    %c0_i32_0 = arith.constant 0 : i32
    %c0_i32_1 = arith.constant 0 : i32
    return %c0_i32, %c0_i32_0 : i32, i32
  }
  func.func @transform_3(%arg0: i32) -> (i32, i32) {
    %c0_i32 = arith.constant 0 : i32
    %c0_i32_0 = arith.constant 0 : i32
    return %arg0, %c0_i32 : i32, i32
  }
  func.func @transform_4(%arg0: i32) -> (i32, i32) {
    %c0_i32 = arith.constant 0 : i32
    %c0_i32_0 = arith.constant 0 : i32
    return %arg0, %c0_i32 : i32, i32
  }
}

module attributes {stable_mosaic.version = 14 : i64} {
  func.func @_tc_layer_body(%arg0: i32, %arg1: memref<2x2000x128xf32, #tpu.memory_space<vmem>>, %arg2: memref<2000x128xf32, #tpu.memory_space<vmem>>, %arg3: memref<2000x1xf32, #tpu.memory_space<vmem>>, %arg4: memref<1x128xf32, #tpu.memory_space<vmem>>, %arg5: memref<1x128xf32, #tpu.memory_space<vmem>>, %arg6: memref<1x128xf32, #tpu.memory_space<vmem>>, %arg7: memref<1x128xf32, #tpu.memory_space<vmem>>, %arg8: memref<1x128xf32, #tpu.memory_space<vmem>>, %arg9: memref<128x128xf32, #tpu.memory_space<vmem>>, %arg10: memref<2000x128xf32, #tpu.memory_space<vmem>>) attributes {dimension_semantics = [#tpu.dimension_semantics<arbitrary>], iteration_bounds = array<i64: 5>, scalar_prefetch = 0 : i64, scratch_operands = 0 : i64, tpu.core_type = #tpu.core_type<tc>, window_params = [{transform_indices = @transform_0, window_bounds = array<i64: 2, 2000, 128>}, {transform_indices = @transform_1, window_bounds = array<i64: 2000, 128>}, {transform_indices = @transform_2, window_bounds = array<i64: 2000, 1>}, {pipeline_mode = #tpu.pipeline_mode<synchronous>, transform_indices = @transform_3, window_bounds = array<i64: 1, 128>}, {pipeline_mode = #tpu.pipeline_mode<synchronous>, transform_indices = @transform_4, window_bounds = array<i64: 1, 128>}, {pipeline_mode = #tpu.pipeline_mode<synchronous>, transform_indices = @transform_5, window_bounds = array<i64: 1, 128>}, {pipeline_mode = #tpu.pipeline_mode<synchronous>, transform_indices = @transform_6, window_bounds = array<i64: 1, 128>}, {pipeline_mode = #tpu.pipeline_mode<synchronous>, transform_indices = @transform_7, window_bounds = array<i64: 1, 128>}, {pipeline_mode = #tpu.pipeline_mode<synchronous>, transform_indices = @transform_8, window_bounds = array<i64: 128, 128>}, {transform_indices = @transform_9, window_bounds = array<i64: 2000, 128>}]} {
    %get3A = arith.constant 0 : index
    %get3A_0 = arith.constant 0 : index
    %get3A_1 = vector.load %arg3[%get3A, %get3A_0] : memref<2000x1xf32, #tpu.memory_space<vmem>>, vector<2000x1xf32>
    %get3A_2 = arith.constant 0 : index
    %get3A_3 = arith.constant 0 : index
    %get3A_4 = arith.constant 0 : index
    %get3A_5 = vector.load %arg1[%get3A_2, %get3A_3, %get3A_4] : memref<2x2000x128xf32, #tpu.memory_space<vmem>>, vector<1x2000x128xf32>
    %get3A_6 = vector.shape_cast %get3A_5 : vector<1x2000x128xf32> to vector<2000x128xf32>
    %get3A_7 = arith.constant 1 : index
    %get3A_8 = arith.constant 0 : index
    %get3A_9 = arith.constant 0 : index
    %get3A_10 = vector.load %arg1[%get3A_7, %get3A_8, %get3A_9] : memref<2x2000x128xf32, #tpu.memory_space<vmem>>, vector<1x2000x128xf32>
    %get3A_11 = vector.shape_cast %get3A_10 : vector<1x2000x128xf32> to vector<2000x128xf32>
    %add3A = arith.addf %get3A_6, %get3A_11 : vector<2000x128xf32>
    %get3A_12 = arith.constant 0 : index
    %get3A_13 = arith.constant 0 : index
    %get3A_14 = vector.load %arg2[%get3A_12, %get3A_13] : memref<2000x128xf32, #tpu.memory_space<vmem>>, vector<2000x128xf32>
    %add3A_15 = arith.addf %add3A, %get3A_14 : vector<2000x128xf32>
    %mul3A = vector.broadcast %get3A_1 : vector<2000x1xf32> to vector<2000x128xf32>
    %mul3A_16 = arith.mulf %add3A_15, %mul3A : vector<2000x128xf32>
    %get3A_17 = arith.constant 0 : index
    %get3A_18 = arith.constant 0 : index
    %get3A_19 = vector.load %arg4[%get3A_17, %get3A_18] : memref<1x128xf32, #tpu.memory_space<vmem>>, vector<1x128xf32>
    %add3A_20 = vector.broadcast %get3A_19 : vector<1x128xf32> to vector<2000x128xf32>
    %add3A_21 = arith.addf %mul3A_16, %add3A_20 : vector<2000x128xf32>
    %get3A_22 = arith.constant 0 : index
    %get3A_23 = arith.constant 0 : index
    %get3A_24 = vector.load %arg7[%get3A_22, %get3A_23] : memref<1x128xf32, #tpu.memory_space<vmem>>, vector<1x128xf32>
    %sub3A = vector.broadcast %get3A_24 : vector<1x128xf32> to vector<2000x128xf32>
    %sub3A_25 = arith.subf %add3A_21, %sub3A : vector<2000x128xf32>
    %get3A_26 = arith.constant 0 : index
    %get3A_27 = arith.constant 0 : index
    %get3A_28 = vector.load %arg8[%get3A_26, %get3A_27] : memref<1x128xf32, #tpu.memory_space<vmem>>, vector<1x128xf32>
    %add3A_29 = arith.constant 9.99999974E-6 : f32
    %add3A_30 = vector.broadcast %add3A_29 : f32 to vector<1x128xf32>
    %add3A_31 = arith.addf %get3A_28, %add3A_30 : vector<1x128xf32>
    %rsqrt3A = math.rsqrt %add3A_31 : vector<1x128xf32>
    %mul3A_32 = vector.broadcast %rsqrt3A : vector<1x128xf32> to vector<2000x128xf32>
    %mul3A_33 = arith.mulf %sub3A_25, %mul3A_32 : vector<2000x128xf32>
    %get3A_34 = arith.constant 0 : index
    %get3A_35 = arith.constant 0 : index
    %get3A_36 = vector.load %arg5[%get3A_34, %get3A_35] : memref<1x128xf32, #tpu.memory_space<vmem>>, vector<1x128xf32>
    %mul3A_37 = vector.broadcast %get3A_36 : vector<1x128xf32> to vector<2000x128xf32>
    %mul3A_38 = arith.mulf %mul3A_33, %mul3A_37 : vector<2000x128xf32>
    %get3A_39 = arith.constant 0 : index
    %get3A_40 = arith.constant 0 : index
    %get3A_41 = vector.load %arg6[%get3A_39, %get3A_40] : memref<1x128xf32, #tpu.memory_space<vmem>>, vector<1x128xf32>
    %add3A_42 = vector.broadcast %get3A_41 : vector<1x128xf32> to vector<2000x128xf32>
    %add3A_43 = arith.addf %mul3A_38, %add3A_42 : vector<2000x128xf32>
    %max3A = arith.constant 0.000000e+00 : f32
    %max3A_44 = vector.broadcast %max3A : f32 to vector<2000x128xf32>
    %max3A_45 = arith.maximumf %add3A_43, %max3A_44 : vector<2000x128xf32>
    %get3A_46 = arith.constant 0 : index
    %get3A_47 = arith.constant 0 : index
    %get3A_48 = vector.load %arg9[%get3A_46, %get3A_47] : memref<128x128xf32, #tpu.memory_space<vmem>>, vector<128x128xf32>
    %dot_general3A = arith.constant dense<0.000000e+00> : vector<2000x128xf32>
    %dot_general3A_49 = tpu.matmul %max3A_45, %get3A_48, %dot_general3A {dimension_numbers = #tpu.dot_dimension_numbers<[1], [0], [0], [1], [0, 0, 1, 1], [], []>, transpose_lhs_hint = false} : vector<2000x128xf32>, vector<128x128xf32>, vector<2000x128xf32> -> vector<2000x128xf32>
    %mul3A_50 = vector.broadcast %get3A_1 : vector<2000x1xf32> to vector<2000x128xf32>
    %mul3A_51 = arith.mulf %dot_general3A_49, %mul3A_50 : vector<2000x128xf32>
    %swap3A = arith.constant 0 : index
    %swap3A_52 = arith.constant 0 : index
    %swap3A_53 = vector.load %arg10[%swap3A, %swap3A_52] : memref<2000x128xf32, #tpu.memory_space<vmem>>, vector<2000x128xf32>
    tpu.vector_store %arg10[%swap3A, %swap3A_52], %mul3A_51 {strides = array<i32>} : memref<2000x128xf32, #tpu.memory_space<vmem>>, vector<2000x128xf32>,
    return
  }
  func.func @transform_0(%arg0: i32) -> (i32, i32, i32) {
    %c0_i32 = arith.constant 0 : i32
    %c0_i32_0 = arith.constant 0 : i32
    %c0_i32_1 = arith.constant 0 : i32
    return %c0_i32, %arg0, %c0_i32_0 : i32, i32, i32
  }
  func.func @transform_1(%arg0: i32) -> (i32, i32) {
    %c0_i32 = arith.constant 0 : i32
    %c0_i32_0 = arith.constant 0 : i32
    return %arg0, %c0_i32 : i32, i32
  }
  func.func @transform_2(%arg0: i32) -> (i32, i32) {
    %c0_i32 = arith.constant 0 : i32
    %c0_i32_0 = arith.constant 0 : i32
    return %arg0, %c0_i32 : i32, i32
  }
  func.func @transform_3(%arg0: i32) -> (i32, i32) {
    %c0_i32 = arith.constant 0 : i32
    %c0_i32_0 = arith.constant 0 : i32
    %c0_i32_1 = arith.constant 0 : i32
    return %c0_i32, %c0_i32_0 : i32, i32
  }
  func.func @transform_4(%arg0: i32) -> (i32, i32) {
    %c0_i32 = arith.constant 0 : i32
    %c0_i32_0 = arith.constant 0 : i32
    %c0_i32_1 = arith.constant 0 : i32
    return %c0_i32, %c0_i32_0 : i32, i32
  }
  func.func @transform_5(%arg0: i32) -> (i32, i32) {
    %c0_i32 = arith.constant 0 : i32
    %c0_i32_0 = arith.constant 0 : i32
    %c0_i32_1 = arith.constant 0 : i32
    return %c0_i32, %c0_i32_0 : i32, i32
  }
  func.func @transform_6(%arg0: i32) -> (i32, i32) {
    %c0_i32 = arith.constant 0 : i32
    %c0_i32_0 = arith.constant 0 : i32
    %c0_i32_1 = arith.constant 0 : i32
    return %c0_i32, %c0_i32_0 : i32, i32
  }
  func.func @transform_7(%arg0: i32) -> (i32, i32) {
    %c0_i32 = arith.constant 0 : i32
    %c0_i32_0 = arith.constant 0 : i32
    %c0_i32_1 = arith.constant 0 : i32
    return %c0_i32, %c0_i32_0 : i32, i32
  }
  func.func @transform_8(%arg0: i32) -> (i32, i32) {
    %c0_i32 = arith.constant 0 : i32
    %c0_i32_0 = arith.constant 0 : i32
    %c0_i32_1 = arith.constant 0 : i32
    return %c0_i32, %c0_i32_0 : i32, i32
  }
  func.func @transform_9(%arg0: i32) -> (i32, i32) {
    %c0_i32 = arith.constant 0 : i32
    %c0_i32_0 = arith.constant 0 : i32
    return %arg0, %c0_i32 : i32, i32
  }
}

module attributes {stable_mosaic.version = 14 : i64} {
  func.func @_tc_final_body(%arg0: i32, %arg1: memref<2x2000x128xf32, #tpu.memory_space<vmem>>, %arg2: memref<2000x128xf32, #tpu.memory_space<vmem>>, %arg3: memref<2000x1xf32, #tpu.memory_space<vmem>>, %arg4: memref<1x128xf32, #tpu.memory_space<vmem>>, %arg5: memref<128x128xf32, #tpu.memory_space<vmem>>, %arg6: memref<1x128xf32, #tpu.memory_space<vmem>>, %arg7: memref<128x128xf32, #tpu.memory_space<vmem>>, %arg8: memref<1x128xf32, #tpu.memory_space<vmem>>, %arg9: memref<2000x128xf32, #tpu.memory_space<vmem>>) attributes {dimension_semantics = [#tpu.dimension_semantics<arbitrary>], iteration_bounds = array<i64: 5>, scalar_prefetch = 0 : i64, scratch_operands = 0 : i64, tpu.core_type = #tpu.core_type<tc>, window_params = [{transform_indices = @transform_0, window_bounds = array<i64: 2, 2000, 128>}, {transform_indices = @transform_1, window_bounds = array<i64: 2000, 128>}, {transform_indices = @transform_2, window_bounds = array<i64: 2000, 1>}, {pipeline_mode = #tpu.pipeline_mode<synchronous>, transform_indices = @transform_3, window_bounds = array<i64: 1, 128>}, {pipeline_mode = #tpu.pipeline_mode<synchronous>, transform_indices = @transform_4, window_bounds = array<i64: 128, 128>}, {pipeline_mode = #tpu.pipeline_mode<synchronous>, transform_indices = @transform_5, window_bounds = array<i64: 1, 128>}, {pipeline_mode = #tpu.pipeline_mode<synchronous>, transform_indices = @transform_6, window_bounds = array<i64: 128, 128>}, {pipeline_mode = #tpu.pipeline_mode<synchronous>, transform_indices = @transform_7, window_bounds = array<i64: 1, 128>}, {transform_indices = @transform_8, window_bounds = array<i64: 2000, 128>}]} {
    %get3A = arith.constant 0 : index
    %get3A_0 = arith.constant 0 : index
    %get3A_1 = arith.constant 0 : index
    %get3A_2 = vector.load %arg1[%get3A, %get3A_0, %get3A_1] : memref<2x2000x128xf32, #tpu.memory_space<vmem>>, vector<1x2000x128xf32>
    %get3A_3 = vector.shape_cast %get3A_2 : vector<1x2000x128xf32> to vector<2000x128xf32>
    %get3A_4 = arith.constant 1 : index
    %get3A_5 = arith.constant 0 : index
    %get3A_6 = arith.constant 0 : index
    %get3A_7 = vector.load %arg1[%get3A_4, %get3A_5, %get3A_6] : memref<2x2000x128xf32, #tpu.memory_space<vmem>>, vector<1x2000x128xf32>
    %get3A_8 = vector.shape_cast %get3A_7 : vector<1x2000x128xf32> to vector<2000x128xf32>
    %add3A = arith.addf %get3A_3, %get3A_8 : vector<2000x128xf32>
    %get3A_9 = arith.constant 0 : index
    %get3A_10 = arith.constant 0 : index
    %get3A_11 = vector.load %arg2[%get3A_9, %get3A_10] : memref<2000x128xf32, #tpu.memory_space<vmem>>, vector<2000x128xf32>
    %add3A_12 = arith.addf %add3A, %get3A_11 : vector<2000x128xf32>
    %get3A_13 = arith.constant 0 : index
    %get3A_14 = arith.constant 0 : index
    %get3A_15 = vector.load %arg3[%get3A_13, %get3A_14] : memref<2000x1xf32, #tpu.memory_space<vmem>>, vector<2000x1xf32>
    %mul3A = vector.broadcast %get3A_15 : vector<2000x1xf32> to vector<2000x128xf32>
    %mul3A_16 = arith.mulf %add3A_12, %mul3A : vector<2000x128xf32>
    %get3A_17 = arith.constant 0 : index
    %get3A_18 = arith.constant 0 : index
    %get3A_19 = vector.load %arg4[%get3A_17, %get3A_18] : memref<1x128xf32, #tpu.memory_space<vmem>>, vector<1x128xf32>
    %add3A_20 = vector.broadcast %get3A_19 : vector<1x128xf32> to vector<2000x128xf32>
    %add3A_21 = arith.addf %mul3A_16, %add3A_20 : vector<2000x128xf32>
    %get3A_22 = arith.constant 0 : index
    %get3A_23 = arith.constant 0 : index
    %get3A_24 = vector.load %arg5[%get3A_22, %get3A_23] : memref<128x128xf32, #tpu.memory_space<vmem>>, vector<128x128xf32>
    %dot_general3A = arith.constant dense<0.000000e+00> : vector<2000x128xf32>
    %dot_general3A_25 = tpu.matmul %add3A_21, %get3A_24, %dot_general3A {dimension_numbers = #tpu.dot_dimension_numbers<[1], [0], [0], [1], [0, 0, 1, 1], [], []>, transpose_lhs_hint = false} : vector<2000x128xf32>, vector<128x128xf32>, vector<2000x128xf32> -> vector<2000x128xf32>
    %get3A_26 = arith.constant 0 : index
    %get3A_27 = arith.constant 0 : index
    %get3A_28 = vector.load %arg6[%get3A_26, %get3A_27] : memref<1x128xf32, #tpu.memory_space<vmem>>, vector<1x128xf32>
    %add3A_29 = vector.broadcast %get3A_28 : vector<1x128xf32> to vector<2000x128xf32>
    %add3A_30 = arith.addf %dot_general3A_25, %add3A_29 : vector<2000x128xf32>
    %max3A = arith.constant 0.000000e+00 : f32
    %max3A_31 = vector.broadcast %max3A : f32 to vector<2000x128xf32>
    %max3A_32 = arith.maximumf %add3A_30, %max3A_31 : vector<2000x128xf32>
    %get3A_33 = arith.constant 0 : index
    %get3A_34 = arith.constant 0 : index
    %get3A_35 = vector.load %arg7[%get3A_33, %get3A_34] : memref<128x128xf32, #tpu.memory_space<vmem>>, vector<128x128xf32>
    %dot_general3A_36 = arith.constant dense<0.000000e+00> : vector<2000x128xf32>
    %dot_general3A_37 = tpu.matmul %max3A_32, %get3A_35, %dot_general3A_36 {dimension_numbers = #tpu.dot_dimension_numbers<[1], [0], [0], [1], [0, 0, 1, 1], [], []>, transpose_lhs_hint = false} : vector<2000x128xf32>, vector<128x128xf32>, vector<2000x128xf32> -> vector<2000x128xf32>
    %get3A_38 = arith.constant 0 : index
    %get3A_39 = arith.constant 0 : index
    %get3A_40 = vector.load %arg8[%get3A_38, %get3A_39] : memref<1x128xf32, #tpu.memory_space<vmem>>, vector<1x128xf32>
    %add3A_41 = vector.broadcast %get3A_40 : vector<1x128xf32> to vector<2000x128xf32>
    %add3A_42 = arith.addf %dot_general3A_37, %add3A_41 : vector<2000x128xf32>
    %swap3A = arith.constant 0 : index
    %swap3A_43 = arith.constant 0 : index
    %swap3A_44 = vector.load %arg9[%swap3A, %swap3A_43] : memref<2000x128xf32, #tpu.memory_space<vmem>>, vector<2000x128xf32>
    tpu.vector_store %arg9[%swap3A, %swap3A_43], %add3A_42 {strides = array<i32>} : memref<2000x128xf32, #tpu.memory_space<vmem>>, vector<2000x128xf32>,
    return
  }
  func.func @transform_0(%arg0: i32) -> (i32, i32, i32) {
    %c0_i32 = arith.constant 0 : i32
    %c0_i32_0 = arith.constant 0 : i32
    %c0_i32_1 = arith.constant 0 : i32
    return %c0_i32, %arg0, %c0_i32_0 : i32, i32, i32
  }
  func.func @transform_1(%arg0: i32) -> (i32, i32) {
    %c0_i32 = arith.constant 0 : i32
    %c0_i32_0 = arith.constant 0 : i32
    return %arg0, %c0_i32 : i32, i32
  }
  func.func @transform_2(%arg0: i32) -> (i32, i32) {
    %c0_i32 = arith.constant 0 : i32
    %c0_i32_0 = arith.constant 0 : i32
    return %arg0, %c0_i32 : i32, i32
  }
  func.func @transform_3(%arg0: i32) -> (i32, i32) {
    %c0_i32 = arith.constant 0 : i32
    %c0_i32_0 = arith.constant 0 : i32
    %c0_i32_1 = arith.constant 0 : i32
    return %c0_i32, %c0_i32_0 : i32, i32
  }
  func.func @transform_4(%arg0: i32) -> (i32, i32) {
    %c0_i32 = arith.constant 0 : i32
    %c0_i32_0 = arith.constant 0 : i32
    %c0_i32_1 = arith.constant 0 : i32
    return %c0_i32, %c0_i32_0 : i32, i32
  }
  func.func @transform_5(%arg0: i32) -> (i32, i32) {
    %c0_i32 = arith.constant 0 : i32
    %c0_i32_0 = arith.constant 0 : i32
    %c0_i32_1 = arith.constant 0 : i32
    return %c0_i32, %c0_i32_0 : i32, i32
  }
  func.func @transform_6(%arg0: i32) -> (i32, i32) {
    %c0_i32 = arith.constant 0 : i32
    %c0_i32_0 = arith.constant 0 : i32
    %c0_i32_1 = arith.constant 0 : i32
    return %c0_i32, %c0_i32_0 : i32, i32
  }
  func.func @transform_7(%arg0: i32) -> (i32, i32) {
    %c0_i32 = arith.constant 0 : i32
    %c0_i32_0 = arith.constant 0 : i32
    %c0_i32_1 = arith.constant 0 : i32
    return %c0_i32, %c0_i32_0 : i32, i32
  }
  func.func @transform_8(%arg0: i32) -> (i32, i32) {
    %c0_i32 = arith.constant 0 : i32
    %c0_i32_0 = arith.constant 0 : i32
    return %arg0, %c0_i32 : i32, i32
  }
}

</mosaic_0001>

<sc_bundles>
// kernel: kernel.10.cloned.1.call-start
scs
__scs_entry_jumppad:
0x0: {  	(pc) =	sbr.rel $0x88, $3  }
0x1: {  	(tag) =	ssettag $0x0;
	lr =	simm.s32 $0x1  }
0x2: {  	[smem:$0x3F8D] =	sst lr;
	_ =	strace $0xD0000000  }
0x3: {  	_ = 	snop  }
0x4: {  	_ = 	snop  }
0x5: {  	_ = 	snop  }
0x6: {  	_ = 	snop  }
0x7: {  	_ = 	snop  }
__scs_overlays_trampoline_lowered:
0x8: {  	[smem:$0x3F9C] =	sst s0  }
0x9: {  	[smem:$0x3F9D] =	sst s1  }
0xa: {  	[smem:$0x3F9E] =	sst s2  }
0xb: {  	[smem:$0x3F9F] =	sst s3  }
0xc: {  	[smem:$0x3FA0] =	sst s4  }
0xd: {  	[smem:$0x3FA1] =	sst s5  }
0xe: {  	[smem:$0x3FA2] =	sst s6  }
0xf: {  	[smem:$0x3FA3] =	sst s7  }
0x10: {  	[smem:$0x3FA4] =	sst s8  }
0x11: {  	[smem:$0x3FA5] =	sst s9;
	s0 =	simm.s32 @!p0 $0x0  }
0x12: {  	s1 =	sld [smem:$0x3F8B];
	s0 =	simm.s32 @p0 $0x1  }
0x13: {  	[smem:$0x3FA6] =	sst s0;
	s0 =	simm.s32 @!p1 $0x0  }
0x14: {  	s2 =	sld [smem:$0x3F8A];
	s0 =	simm.s32 @p1 $0x1  }
0x15: {  	[smem:$0x3FA7] =	sst s0;
	s0 =	simm.s32 @!p2 $0x0  }
0x16: {  	s3 =	sld [smem:$0x3FDB];
	s0 =	simm.s32 @p2 $0x1  }
0x17: {  	s4 =	simm.s32 $0x1BF5;
	[smem:$0x3FA9] =	sst s0  }
0x18: {  	s0 =	sld [smem:$0x3F8C];
	_ =	swait.ge [sflag:s4], $0x0  }
0x19: {  	s7 =	sld [smem:$0x3F8D]  }
0x1a: {  	s8 =	sadd.s32 $0xFFFFE003, lr  }
0x1b: {  	s9 =	sadd.s32 $0xFFFFFEF7, lr;
	s5 =	simm.s32 $0xFFFFFFFF;
	p2 =	slt.u32 s8, $0xFFFFF086  }
0x1c: {  	p1 =	slt.u32 s9, $0xF7A;
	s5 =	simm.s32 @!p2 $0x0  }
0x1d: {  	s5 =	simm.s32 @p1 $0x1;
	p0 =	seq.s32 s7, s2  }
0x1e: {  	s7 =	smul.u32 @!p0 $0xF7A, s2;
	p2 =	seq.s32 @!p0 s5, $0x0  }
0x1f: {  	s9 =	smul.u32 $0xF7A, s1;
	s8 =	simm.s32 @!p0 $0x1BF5;
	p2 =	por !p2, p0  }
0x20: {  	[sflag:s8] =	ssyncset.s32 @!p0 $0xFFFFF086;
	s6 =	sadd.s32 @!p0 s3, s7;
	s7 =	simm.s32 @!p0 $0x108  }
0x21: {  	s3 =	sadd.s32 s3, s9;
	s6 =	sadd.s32 @!p0 $0x88, s6;
	s7 =	simm.s32 @p2 $0x1082  }
0x22: {  	[simem:s7], [sflag:s8] =	dma.local @!p0 [hbm:s6], $0xF7A  }
0x23: {  	s9 =	sor.u32 $0xD0000000, s2;
	s6 =	simm.s32 $0x108;
	_ =	swait.ge @!p0 [sflag:s8], $0x0  }
0x24: {  	s3 =	sadd.s32 $0x88, s3;
	s6 =	simm.s32 @!p1 $0x1082;
	[sflag:s4] =	ssyncset.s32 $0xFFFFF086  }
0x25: {  	[simem:s6], [sflag:s4] =	dma.local [hbm:s3], $0xF7A  }
0x26: {  	[smem:$0x3F8D] =	sst s1;
	(tag) =	ssettag s2;
	_ =	strace s9  }
0x27: {  	s1 =	sld [smem:$0x3F9D]  }
0x28: {  	s2 =	sld [smem:$0x3F9E]  }
0x29: {  	s4 =	sld [smem:$0x3FA0]  }
0x2a: {  	p0 =	seq.s32 s5, $0x0;
	s5 =	sld [smem:$0x3FA1]  }
0x2b: {  	s6 =	sld [smem:$0x3FA2]  }
0x2c: {  	s7 =	sld [smem:$0x3FA3]  }
0x2d: {  	s3 =	simm.s32 $0x108;
	s8 =	sld [smem:$0x3FA4]  }
0x2e: {  	s3 =	simm.s32 @!p0 $0x1082;
	s9 =	sld [smem:$0x3FA5]  }
0x2f: {  	lr =	sadd.s32 s0, s3;
	s0 =	sld [smem:$0x3F9C]  }
0x30: {  	s3 =	sld [smem:$0x3F9F]  }
0x31: {  	[smem:$0x3FA8] =	sst s10  }
0x32: {  	s10 =	sld [smem:$0x3FA6];
	_ =	sdelay $0x3  }
0x33: {  	p0 =	seq.s32 s10, $0x1;
	s10 =	sld [smem:$0x3FA8];
	_ =	sdelay $0x3  }
0x34: {  	[smem:$0x3FA8] =	sst s10  }
0x35: {  	s10 =	sld [smem:$0x3FA7];
	_ =	sdelay $0x3  }
0x36: {  	p1 =	seq.s32 s10, $0x1;
	s10 =	sld [smem:$0x3FA8];
	_ =	sdelay $0x3  }
0x37: {  	[smem:$0x3FA8] =	sst s10  }
0x38: {  	s10 =	sld [smem:$0x3FA9]  }
0x39: {  	_ = 	snop;
	(pc) =	sbr.ind lr, $3  }
0x3a: {  	_ = 	snop  }
0x3b: {  	_ = 	snop  }
0x3c: {  	p2 =	seq.s32 s10, $0x1;
	s10 =	sld [smem:$0x3FA8]  }
0x3d: {  	_ =	shalt  }
0x3e: {  	_ =	shalt  }
0x3f: {  	_ =	shalt  }
0x40: {  	_ =	shalt  }
0x41: {  	_ =	shalt  }
0x42: {  	_ =	shalt  }
0x43: {  	_ =	shalt  }
0x44: {  	_ =	shalt  }
0x45: {  	_ =	shalt  }
0x46: {  	_ =	shalt  }
0x47: {  	_ =	shalt  }
0x48: {  	_ =	shalt  }
0x49: {  	_ =	shalt  }
0x4a: {  	_ =	shalt  }
0x4b: {  	_ =	shalt  }
0x4c: {  	_ =	shalt  }
0x4d: {  	_ =	shalt  }
0x4e: {  	_ =	shalt  }
0x4f: {  	_ =	shalt  }
0x50: {  	_ =	shalt  }
0x51: {  	_ =	shalt  }
0x52: {  	_ =	shalt  }
0x53: {  	_ =	shalt  }
0x54: {  	_ =	shalt  }
0x55: {  	_ =	shalt  }
0x56: {  	_ =	shalt  }
0x57: {  	_ =	shalt  }
0x58: {  	_ =	shalt  }
0x59: {  	_ =	shalt  }
0x5a: {  	_ =	shalt  }
0x5b: {  	_ =	shalt  }
0x5c: {  	_ =	shalt  }
0x5d: {  	_ =	shalt  }
0x5e: {  	_ =	shalt  }
0x5f: {  	_ =	shalt  }
0x60: {  	_ =	shalt  }
0x61: {  	_ =	shalt  }
0x62: {  	_ =	shalt  }
0x63: {  	_ =	shalt  }
0x64: {  	_ =	shalt  }
0x65: {  	_ =	shalt  }
0x66: {  	_ =	shalt  }
0x67: {  	_ =	shalt  }
0x68: {  	_ =	shalt  }
0x69: {  	_ =	shalt  }
0x6a: {  	_ =	shalt  }
0x6b: {  	_ =	shalt  }
0x6c: {  	_ =	shalt  }
0x6d: {  	_ =	shalt  }
0x6e: {  	_ =	shalt  }
0x6f: {  	_ =	shalt  }
0x70: {  	_ =	shalt  }
0x71: {  	_ =	shalt  }
0x72: {  	_ =	shalt  }
0x73: {  	_ =	shalt  }
0x74: {  	_ =	shalt  }
0x75: {  	_ =	shalt  }
0x76: {  	_ =	shalt  }
0x77: {  	_ =	shalt  }
0x78: {  	_ =	shalt  }
0x79: {  	_ =	shalt  }
0x7a: {  	_ =	shalt  }
0x7b: {  	_ =	shalt  }
0x7c: {  	_ =	shalt  }
0x7d: {  	_ =	shalt  }
0x7e: {  	_ =	shalt  }
0x7f: {  	_ =	shalt  }
0x80: {  	_ =	shalt  }
0x81: {  	_ =	shalt  }
0x82: {  	_ =	shalt  }
0x83: {  	_ =	shalt  }
0x84: {  	_ =	shalt  }
0x85: {  	_ =	shalt  }
0x86: {  	_ =	shalt  }
0x87: {  	_ =	shalt  }
.Lfunc_end0:
.L_simem_size_0:
called_computation_lowered:
.L_overlay_start_0:
0x88: {  	s2 =	sld [smem:$0x3FD9]  }
0x89: {  	s3 =	sld [smem:$0x3FFE];
	_ =	sdelay $0x1  }
0x8a: {  	s1 =	srdreg.scid  }
0x8b: {  	s0 =	sand.u32 $0x1, s1  }
0x8c: {  	s16 =	sshll.u32 s0, $0xA;
	s2 =	sadd.s32 s3, s2  }
0x8d: {  	s2 =	sadd.s32 s2, s16  }
0x8e: {  	[smem:$0x3FB4] =	sst s2  }
0x8f: {  	_ = 	snop  }
0x90: {  	(tm) =	ssettm $0x1  }
0x91: {  	s17 =	sld [smem:$0x3FFB];
	_ =	sdelay $0x3  }
0x92: {  	_ =	strace s17  }
0x93: {  	s2 =	sld [smem:$0x3FFC];
	_ =	sdelay $0x3  }
0x94: {  	_ =	strace s2  }
0x95: {  	s2 =	sld [smem:$0x3FFD];
	_ =	sdelay $0x3  }
0x96: {  	_ =	strace s2  }
0x97: {  	_ =	strace $0x8FFFFFFF  }
0x98: {  	s18 =	sld [smem:$0x3FDB];
	_ =	sdelay $0x1  }
0x99: {  	s19 =	simm.s32 $_scs_section_size  }
0x9a: {  	s4 =	simm.s32 $_size__tile_overlayer_lowered;
	s5 =	simm.s32 $_tile_overlayer_lowered  }
0x9b: {  	s22 =	simm.s32 $0x1BFF;
	s21 =	sshll.u32 s5, $0x1;
	s2 =	sadd.s32 s19, s18  }
0x9c: {  	s6 =	simm.s32 $0x0;
	s20 =	sshll.u32 s4, $0x1;
	s4 =	sadd.s32 s21, s2  }
0x9d: {  	[timem:s6], [sflag:s22] =	dma.local [hbm:s4], s20  }
0x9e: {  	_ =	swait.ge [sflag:s22], s20  }
0x9f: {  	s3 =	ssub.s32 $0x0, s20;
	[sflag:s22] =	ssyncset.done $0x0  }
0xa0: {  	[sflag:s22] =	ssyncadd.s32 s3;
	_ =	sdelay $0x1  }
0xa1: {  	s23 =	simm.s32 $0x1B8B  }
0xa2: {  	_ =	swait.ge [sflag:s23], $0x1  }
0xa3: {  	[sflag:s23] =	ssyncset.done $0x0  }
0xa4: {  	s25 =	simm.s32 $0x1B8E;
	s24 =	sld [smem:$0x3FFE];
	[sflag:s23] =	ssyncadd.s32 $0xFFFFFFFF  }
0xa5: {  	s26 =	simm.s32 $execute0_lowered;
	[smem:$0x3FD2] =	sst s25  }
0xa6: {  	s4 =	sshll.u32 s26, $0x1;
	_ =	strace $0x80000046;
	[dreg:$0x1] =	wrdreg $0xFFFFFFFF  }
0xa7: {  	s28 =	simm.s32 $_size_execute0_lowered;
	s2 =	sadd.s32 s2, s4;
	[dreg:$0x0] =	wrdreg $0x0  }
0xa8: {  	s4 =	sshll.u32 s28, $0x1;
	[dreg:$0x2] =	wrdreg s2  }
0xa9: {  	[dreg:$0x3] =	wrdreg s4  }
0xaa: {  	[dreg:$0x4] =	wrdreg $0xC0  }
0xab: {  	_ =	task [dreg:s6], $0x5FFFF  }
0xac: {  	[dreg:$0x1] =	wrdreg $0xFFFFFFFF  }
0xad: {  	[dreg:$0x0] =	wrdreg $0x60  }
0xae: {  	[dreg:$0x2] =	wrdreg s24  }
0xaf: {  	[dreg:$0x3] =	wrdreg $0xA8000  }
0xb0: {  	[dreg:$0x4] =	wrdreg $0x9  }
0xb1: {  	_ =	task.clear_ibuf [dreg:s6], $0x5FFFF;
	_ =	strace $0x90000046  }
0xb2: {  	s29 =	simm.s32 $0x9;
	_ =	strace $0x80000048  }
0xb3: {  	_ =	swait.ge [sflag:s29], $0x1  }
0xb4: {  	[sflag:s29] =	ssyncadd.s32 $0xFFFFFFFF  }
0xb5: {  	_ =	strace $0x90000048  }
0xb6: {  	_ =	sfence  }
0xb7: {  	s30 =	sld [smem:$0x0];
	_ =	sdelay $0x2  }
0xb8: {  	s31 =	sshll.u32 s1, $0xD;
	s1 =	sshrl.u32 s1, $0x2  }
0xb9: {  	s3 =	sand.u32 $0x4000, s31;
	s1 =	sadd.s32 s1, s30  }
0xba: {  	s0 =	sor.u32 s3, s0;
	s1 =	sshll.u32 s1, $0x11  }
0xbb: {  	s0 =	sor.u32 s1, s0  }
0xbc: {  	s0 =	sadd.s32 $0x8F2B, s0  }
0xbd: {  	[sflag:s0] =	ssyncadd.remote.s32 $0x1  }
0xbe: {  	_ =	sfence.sel $0xFFFF  }
0xbf: {  	[dreg:$0x0] =	wrdreg $0xFFFFFFFF;
	(pc) =	sbr.abs _section_cstart, $3  }
0xc0: {  	[dreg:$0x1] =	wrdreg $0xFFFFFFFF  }
0xc1: {  	_ =	task.clear_ibuf [dreg:s6], $0x2FFFF;
	_ =	strace $0x9FFFFFFF  }
0xc2: {  	(tm) =	ssettm $0x7FFFFFFF  }
0xc3: {  	_ =	shalt  }
tec
execute0_lowered:
.L_overlay_start_1:
0x0: {  	(tag) =	ssettag $0x1  }
0x1: {  	s4 =	rddreg [dreg:$0x0]  }
0x2: {  	s1 =	rddreg [dreg:$0x1]  }
0x3: {  	s2 =	srdreg.scid;
	s0 =	rddreg [dreg:$0x2];
	s3 =	simm.s32 $0x0  }
0x4: {  	s12 =	simm.s32 $0x6800;
	s13 =	simm.s32 $0x1;
	s14 =	simm.s32 $0x80  }
0x5: {  	s15 =	simm.s32 $0x2800;
	s5 =	sand.u32 $0x1, s2;
	s2 =	stileid.u32  }
0x6: {  	[smem:$0x7FF] =	sst s3;
	s6 =	sshll.u32 s5, $0x4;
	s7 =	smul.u32 $0x140000, s5  }
0x7: {  	s8 =	smul.u32 $0x14000, s2;
	_ =	strace $0x80000047;
	s5 =	ssub.s32 $0x2, s5  }
0x8: {  	s30 =	smul.u32 $0x50000, s2;
	s16 =	sshll.u32 s2, $0x6;
	s6 =	sor.u32 s2, s6  }
0x9: {  	s9 =	sshrl.u32 s5, $0x1;
	s6 =	smul.u32 $0x500, s6;
	s7 =	sadd.s32 s8, s7  }
0xa: {  	s16 =	sor.u32 $0x1C01, s16;
	s9 =	ssub.s32 s5, s9;
	s7 =	sshrl.u32 s7, $0x3  }
0xb: {  	s31 =	sshrl.u32 s30, $0x2;
	s6 =	sadd.s32 s6, s4;
	s7 =	sadd.s32 s7, s4  }
0xc: {  	s4 =	sadd.s32 s31, s1;
	s5 =	sadd.s32 $0x4C00, s6;
	s6 =	sadd.s32 $0xEC00, s7  }
0xd: {  	s7 =	smax.u32 s9, $0x1;
	s8 =	sadd.s32 $0x4000, s4;
	s9 =	sadd.s32 $0x8000, s4  }
0xe: {  	v0 =	vimm.f32 $1.000000000e+00;
	v1 =	vimm.f32 $0.0e+00;
	s10 =	sadd.s32 $0xC000, s4;
	s11 =	sadd.s32 $0x10000, s4;
	s17 =	sshrl.u32 s4, $0x3  }
.LBB2_1:
0xf: {  	s18 =	simm.s32 $0x200;
	s19 =	simm.s32 $0x0  }
.LBB2_2:
0x10: {  	p0 =	sne.s32 s18, $0xFE00;
	[tilespmem:s19+$0x2800] =	vst v0;
	s20 =	smov.u32 s18;
	s18 =	sadd.s32 $0x200, s18  }
.Ltmp0:
0x11: {  	[tilespmem:s19+$0x6800] =	vst v1;
	(pc) =	sbr.rel @p0 .LBB2_2-.Ltmp0, $2  }
0x12: {  	_ =	sdelay $0x2  }
0x13: {  	s19 =	sshra.s32 s20, $0x2  }
0x14: {  	[tilespmem:s19+$0x2800] =	vst v0  }
0x15: {  	[tilespmem:s19+$0x6800] =	vst v1  }
0x16: {  	[spmem:s4] =	stream.linear.scatter [tilespmem:s12], [sflag:$0x1], $0x4000, $0x38;
	[tilespmem:$0xD000] =	vst v63  }
0x17: {  	_ =	swait.ge [sflag:s13], $0x4000  }
0x18: {  	[sflag:s13] =	ssyncset.done $0x0  }
0x19: {  	[sflag:s13] =	ssyncadd.s32 $0xFFFFC000  }
0x1a: {  	[spmem:s8] =	stream.linear.scatter [tilespmem:s12], [sflag:$0x1], $0x4000, $0x38;
	[tilespmem:$0xD000] =	vst v63  }
0x1b: {  	_ =	swait.ge [sflag:s13], $0x4000  }
0x1c: {  	[sflag:s13] =	ssyncset.done $0x0  }
0x1d: {  	[sflag:s13] =	ssyncadd.s32 $0xFFFFC000  }
0x1e: {  	[spmem:s9] =	stream.linear.scatter [tilespmem:s12], [sflag:$0x1], $0x4000, $0x38;
	[tilespmem:$0xD000] =	vst v63  }
0x1f: {  	_ =	swait.ge [sflag:s13], $0x4000  }
0x20: {  	[sflag:s13] =	ssyncset.done $0x0  }
0x21: {  	[sflag:s13] =	ssyncadd.s32 $0xFFFFC000  }
0x22: {  	[spmem:s10] =	stream.linear.scatter [tilespmem:s12], [sflag:$0x1], $0x4000, $0x38;
	[tilespmem:$0xD000] =	vst v63  }
0x23: {  	_ =	swait.ge [sflag:s13], $0x4000  }
0x24: {  	[sflag:s13] =	ssyncset.done $0x0  }
0x25: {  	[sflag:s13] =	ssyncadd.s32 $0xFFFFC000  }
0x26: {  	[spmem:s11] =	stream.linear.scatter [tilespmem:s12], [sflag:$0x1], $0x4000, $0x38;
	[tilespmem:$0xD000] =	vst v63  }
0x27: {  	_ =	swait.ge [sflag:s13], $0x4000  }
0x28: {  	[sflag:s13] =	ssyncset.done $0x0  }
0x29: {  	[sflag:s13] =	ssyncadd.s32 $0xFFFFC000  }
0x2a: {  	s18 =	simm.s32 $0x0;
	[bflag:$0x0] =	sbarrier.arrive $0xFFFF  }
0x2b: {  	[tilespmem:s18], [sflag:$0x1] =	stream.linear.gather [hbm4b:s5+s18], $0x2780, $0x38;
	[tilespmem:$0xD000] =	vst v63  }
0x2c: {  	_ =	swait.ge [sflag:s13], $0x2780  }
0x2d: {  	[sflag:s13] =	ssyncset.done $0x0  }
0x2e: {  	s31 =	simm.s32 $0x0;
	[sflag:s13] =	ssyncadd.s32 $0xFFFFD880  }
0x2f: {  	[spmem:s1] =	stream.indirect.scatter.add.f32 [tilespmem:s15], [sflag:$0x1], $0x10, s31, s14, $0xb8;
	[tilespmem:$0xD000] =	vst v63  }
0x30: {  	_ =	swait.ge [sflag:s13], $0x800  }
0x31: {  	s18 =	simm.s32 $0x200;
	[sflag:s13] =	ssyncset.done $0x0  }
.LBB2_4:
0x32: {  	s19 =	sshra.s32 s18, $0x2;
	[sflag:s13] =	ssyncadd.s32 $0xFFFFF800;
	p0 =	sne.s32 s18, $0x9C00  }
0x33: {  	[spmem:s1] =	stream.indirect.scatter.add.f32 [tilespmem:s15], [sflag:$0x1], $0x10, s19, s14, $0xb8;
	[tilespmem:$0xD000] =	vst v63  }
.Ltmp1:
0x34: {  	_ = 	snop;
	(pc) =	sbr.rel @p0 .LBB2_4-.Ltmp1, $4  }
0x35: {  	_ = 	snop  }
0x36: {  	s18 =	sadd.s32 $0x200, s18  }
0x37: {  	_ =	swait.ge [sflag:s13], $0x800  }
0x38: {  	[sflag:s13] =	ssyncset.done $0x0  }
0x39: {  	s3 =	sadd.s32 $0x1, s3  }
0x3a: {  	[sflag:s13] =	ssyncadd.s32 $0xFFFFF800;
	p0 =	sne.s32 s3, s7  }
.Ltmp2:
0x3b: {  	[bflag:$0x0] =	sbarrier.arrive $0xFFFF;
	(pc) =	sbr.rel @p0 .LBB2_1-.Ltmp2, $4  }
0x3c: {  	[hbm:s6], [sflag:s16] =	dma.local [spmem:s17], $0x2800  }
0x3d: {  	_ =	swait.ge [sflag:s13], $0x2800  }
0x3e: {  	[sflag:s13] =	ssyncset.done $0x0  }
0x3f: {  	[sflag:s13] =	ssyncadd.s32 $0xFFFFD800  }
0x40: {  	_ =	sfence.sel $0x180000  }
0x41: {  	[bflag:$0x0] =	sbarrier.arrive $0xFFFF  }
0x42: {  	p0 =	sne.s32 s2, $0x0;
	_ =	strace $0x90000047  }
0x43: {  	s0 =	sadd.s32 @!p0 $0x100000, s0;
	[bflag:$0x2] =	sbarrier.arrive $0xFFFF  }
0x44: {  	[sflag:s0] =	ssyncadd.tile.s32 @!p0 $0x1;
	_ =	shalt  }
.Lfunc_end2:
_tile_overlayer_lowered:
.L_overlay_start_2:
0x45: {  	(tag) =	ssettag $0x2  }
0x46: {  	s0 =	rddreg [dreg:$0x0];
	s2 =	stileid.u32  }
0x47: {  	s1 =	rddreg [dreg:$0x1];
	p0 =	sne.s32 s2, $0x0  }
0x48: {  	s3 =	rddreg [dreg:$0x2];
	[bflag:$0x3] =	sbarrier.arrive $0xFFFF;
	s2 =	simm.s32 @!p0 $0x1C01  }
0x49: {  	[timem:s3], [sflag:s2] =	dma.local @!p0 [hbm:s0], s1  }
0x4a: {  	s0 =	simm.s32 @!p0 $0x1  }
0x4b: {  	_ =	swait.ge @!p0 [sflag:s0], s1  }
0x4c: {  	s1 =	ssub.s32 @!p0 $0x0, s1;
	[sflag:s0] =	ssyncset.done @!p0 $0x0  }
0x4d: {  	[sflag:s0] =	ssyncadd.s32 @!p0 s1  }
0x4e: {  	[bflag:$0x3] =	sbarrier.arrive $0xFFFF  }
0x4f: {  	_ =	shalt  }

// kernel: kernel.13.cloned.1.call-start
scs
__scs_entry_jumppad:
0x0: {  	(pc) =	sbr.rel $0x88, $3  }
0x1: {  	(tag) =	ssettag $0x0;
	lr =	simm.s32 $0x1  }
0x2: {  	[smem:$0x3F8D] =	sst lr;
	_ =	strace $0xD0000000  }
0x3: {  	_ = 	snop  }
0x4: {  	_ = 	snop  }
0x5: {  	_ = 	snop  }
0x6: {  	_ = 	snop  }
0x7: {  	_ = 	snop  }
__scs_overlays_trampoline_lowered:
0x8: {  	[smem:$0x3F9C] =	sst s0  }
0x9: {  	[smem:$0x3F9D] =	sst s1  }
0xa: {  	[smem:$0x3F9E] =	sst s2  }
0xb: {  	[smem:$0x3F9F] =	sst s3  }
0xc: {  	[smem:$0x3FA0] =	sst s4  }
0xd: {  	[smem:$0x3FA1] =	sst s5  }
0xe: {  	[smem:$0x3FA2] =	sst s6  }
0xf: {  	[smem:$0x3FA3] =	sst s7  }
0x10: {  	[smem:$0x3FA4] =	sst s8  }
0x11: {  	[smem:$0x3FA5] =	sst s9;
	s0 =	simm.s32 @!p0 $0x0  }
0x12: {  	s1 =	sld [smem:$0x3F8B];
	s0 =	simm.s32 @p0 $0x1  }
0x13: {  	[smem:$0x3FA6] =	sst s0;
	s0 =	simm.s32 @!p1 $0x0  }
0x14: {  	s2 =	sld [smem:$0x3F8A];
	s0 =	simm.s32 @p1 $0x1  }
0x15: {  	[smem:$0x3FA7] =	sst s0;
	s0 =	simm.s32 @!p2 $0x0  }
0x16: {  	s3 =	sld [smem:$0x3FDB];
	s0 =	simm.s32 @p2 $0x1  }
0x17: {  	s4 =	simm.s32 $0x1BF5;
	[smem:$0x3FA9] =	sst s0  }
0x18: {  	s0 =	sld [smem:$0x3F8C];
	_ =	swait.ge [sflag:s4], $0x0  }
0x19: {  	s7 =	sld [smem:$0x3F8D]  }
0x1a: {  	s8 =	sadd.s32 $0xFFFFE003, lr  }
0x1b: {  	s9 =	sadd.s32 $0xFFFFFEF7, lr;
	s5 =	simm.s32 $0xFFFFFFFF;
	p2 =	slt.u32 s8, $0xFFFFF086  }
0x1c: {  	p1 =	slt.u32 s9, $0xF7A;
	s5 =	simm.s32 @!p2 $0x0  }
0x1d: {  	s5 =	simm.s32 @p1 $0x1;
	p0 =	seq.s32 s7, s2  }
0x1e: {  	s7 =	smul.u32 @!p0 $0xF7A, s2;
	p2 =	seq.s32 @!p0 s5, $0x0  }
0x1f: {  	s9 =	smul.u32 $0xF7A, s1;
	s8 =	simm.s32 @!p0 $0x1BF5;
	p2 =	por !p2, p0  }
0x20: {  	[sflag:s8] =	ssyncset.s32 @!p0 $0xFFFFF086;
	s6 =	sadd.s32 @!p0 s3, s7;
	s7 =	simm.s32 @!p0 $0x108  }
0x21: {  	s3 =	sadd.s32 s3, s9;
	s6 =	sadd.s32 @!p0 $0x88, s6;
	s7 =	simm.s32 @p2 $0x1082  }
0x22: {  	[simem:s7], [sflag:s8] =	dma.local @!p0 [hbm:s6], $0xF7A  }
0x23: {  	s9 =	sor.u32 $0xD0000000, s2;
	s6 =	simm.s32 $0x108;
	_ =	swait.ge @!p0 [sflag:s8], $0x0  }
0x24: {  	s3 =	sadd.s32 $0x88, s3;
	s6 =	simm.s32 @!p1 $0x1082;
	[sflag:s4] =	ssyncset.s32 $0xFFFFF086  }
0x25: {  	[simem:s6], [sflag:s4] =	dma.local [hbm:s3], $0xF7A  }
0x26: {  	[smem:$0x3F8D] =	sst s1;
	(tag) =	ssettag s2;
	_ =	strace s9  }
0x27: {  	s1 =	sld [smem:$0x3F9D]  }
0x28: {  	s2 =	sld [smem:$0x3F9E]  }
0x29: {  	s4 =	sld [smem:$0x3FA0]  }
0x2a: {  	p0 =	seq.s32 s5, $0x0;
	s5 =	sld [smem:$0x3FA1]  }
0x2b: {  	s6 =	sld [smem:$0x3FA2]  }
0x2c: {  	s7 =	sld [smem:$0x3FA3]  }
0x2d: {  	s3 =	simm.s32 $0x108;
	s8 =	sld [smem:$0x3FA4]  }
0x2e: {  	s3 =	simm.s32 @!p0 $0x1082;
	s9 =	sld [smem:$0x3FA5]  }
0x2f: {  	lr =	sadd.s32 s0, s3;
	s0 =	sld [smem:$0x3F9C]  }
0x30: {  	s3 =	sld [smem:$0x3F9F]  }
0x31: {  	[smem:$0x3FA8] =	sst s10  }
0x32: {  	s10 =	sld [smem:$0x3FA6];
	_ =	sdelay $0x3  }
0x33: {  	p0 =	seq.s32 s10, $0x1;
	s10 =	sld [smem:$0x3FA8];
	_ =	sdelay $0x3  }
0x34: {  	[smem:$0x3FA8] =	sst s10  }
0x35: {  	s10 =	sld [smem:$0x3FA7];
	_ =	sdelay $0x3  }
0x36: {  	p1 =	seq.s32 s10, $0x1;
	s10 =	sld [smem:$0x3FA8];
	_ =	sdelay $0x3  }
0x37: {  	[smem:$0x3FA8] =	sst s10  }
0x38: {  	s10 =	sld [smem:$0x3FA9]  }
0x39: {  	_ = 	snop;
	(pc) =	sbr.ind lr, $3  }
0x3a: {  	_ = 	snop  }
0x3b: {  	_ = 	snop  }
0x3c: {  	p2 =	seq.s32 s10, $0x1;
	s10 =	sld [smem:$0x3FA8]  }
0x3d: {  	_ =	shalt  }
0x3e: {  	_ =	shalt  }
0x3f: {  	_ =	shalt  }
0x40: {  	_ =	shalt  }
0x41: {  	_ =	shalt  }
0x42: {  	_ =	shalt  }
0x43: {  	_ =	shalt  }
0x44: {  	_ =	shalt  }
0x45: {  	_ =	shalt  }
0x46: {  	_ =	shalt  }
0x47: {  	_ =	shalt  }
0x48: {  	_ =	shalt  }
0x49: {  	_ =	shalt  }
0x4a: {  	_ =	shalt  }
0x4b: {  	_ =	shalt  }
0x4c: {  	_ =	shalt  }
0x4d: {  	_ =	shalt  }
0x4e: {  	_ =	shalt  }
0x4f: {  	_ =	shalt  }
0x50: {  	_ =	shalt  }
0x51: {  	_ =	shalt  }
0x52: {  	_ =	shalt  }
0x53: {  	_ =	shalt  }
0x54: {  	_ =	shalt  }
0x55: {  	_ =	shalt  }
0x56: {  	_ =	shalt  }
0x57: {  	_ =	shalt  }
0x58: {  	_ =	shalt  }
0x59: {  	_ =	shalt  }
0x5a: {  	_ =	shalt  }
0x5b: {  	_ =	shalt  }
0x5c: {  	_ =	shalt  }
0x5d: {  	_ =	shalt  }
0x5e: {  	_ =	shalt  }
0x5f: {  	_ =	shalt  }
0x60: {  	_ =	shalt  }
0x61: {  	_ =	shalt  }
0x62: {  	_ =	shalt  }
0x63: {  	_ =	shalt  }
0x64: {  	_ =	shalt  }
0x65: {  	_ =	shalt  }
0x66: {  	_ =	shalt  }
0x67: {  	_ =	shalt  }
0x68: {  	_ =	shalt  }
0x69: {  	_ =	shalt  }
0x6a: {  	_ =	shalt  }
0x6b: {  	_ =	shalt  }
0x6c: {  	_ =	shalt  }
0x6d: {  	_ =	shalt  }
0x6e: {  	_ =	shalt  }
0x6f: {  	_ =	shalt  }
0x70: {  	_ =	shalt  }
0x71: {  	_ =	shalt  }
0x72: {  	_ =	shalt  }
0x73: {  	_ =	shalt  }
0x74: {  	_ =	shalt  }
0x75: {  	_ =	shalt  }
0x76: {  	_ =	shalt  }
0x77: {  	_ =	shalt  }
0x78: {  	_ =	shalt  }
0x79: {  	_ =	shalt  }
0x7a: {  	_ =	shalt  }
0x7b: {  	_ =	shalt  }
0x7c: {  	_ =	shalt  }
0x7d: {  	_ =	shalt  }
0x7e: {  	_ =	shalt  }
0x7f: {  	_ =	shalt  }
0x80: {  	_ =	shalt  }
0x81: {  	_ =	shalt  }
0x82: {  	_ =	shalt  }
0x83: {  	_ =	shalt  }
0x84: {  	_ =	shalt  }
0x85: {  	_ =	shalt  }
0x86: {  	_ =	shalt  }
0x87: {  	_ =	shalt  }
.Lfunc_end0:
.L_simem_size_0:
called_computation.1_lowered:
.L_overlay_start_0:
0x88: {  	s2 =	sld [smem:$0x3FD9]  }
0x89: {  	s3 =	sld [smem:$0x3FFE];
	_ =	sdelay $0x1  }
0x8a: {  	s1 =	srdreg.scid  }
0x8b: {  	s0 =	sand.u32 $0x1, s1  }
0x8c: {  	s17 =	sshll.u32 s0, $0xA;
	s2 =	sadd.s32 s3, s2  }
0x8d: {  	s2 =	sadd.s32 s2, s17  }
0x8e: {  	[smem:$0x3FB4] =	sst s2  }
0x8f: {  	_ = 	snop  }
0x90: {  	s2 =	sld [smem:$0x3FD0];
	(tm) =	ssettm $0x1  }
0x91: {  	s18 =	sld [smem:$0x3FFB];
	_ =	sdelay $0x3  }
0x92: {  	_ =	strace s18  }
0x93: {  	s3 =	sld [smem:$0x3FFC];
	_ =	sdelay $0x3  }
0x94: {  	_ =	strace s3  }
0x95: {  	s3 =	sld [smem:$0x3FFD];
	_ =	sdelay $0x3  }
0x96: {  	_ =	strace s3  }
0x97: {  	_ =	strace $0x8FFFFFFF  }
0x98: {  	s19 =	sld [smem:$0x3FDB];
	_ =	sdelay $0x1  }
0x99: {  	s4 =	simm.s32 $_scs_section_size  }
0x9a: {  	s5 =	simm.s32 $_size__tile_overlayer_lowered;
	s6 =	simm.s32 $_tile_overlayer_lowered  }
0x9b: {  	s22 =	simm.s32 $0x1BFF;
	s21 =	sshll.u32 s6, $0x1;
	s3 =	sadd.s32 s4, s19  }
0x9c: {  	s7 =	simm.s32 $0x0;
	s20 =	sshll.u32 s5, $0x1;
	s5 =	sadd.s32 s21, s3  }
0x9d: {  	[timem:s7], [sflag:s22] =	dma.local [hbm:s5], s20  }
0x9e: {  	_ =	swait.ge [sflag:s22], s20  }
0x9f: {  	s4 =	ssub.s32 $0x0, s20;
	[sflag:s22] =	ssyncset.done $0x0  }
0xa0: {  	[sflag:s22] =	ssyncadd.s32 s4;
	_ =	sdelay $0x1  }
0xa1: {  	s23 =	simm.s32 $0x1B8B  }
0xa2: {  	_ =	swait.ge [sflag:s23], $0x1  }
0xa3: {  	[sflag:s23] =	ssyncset.done $0x0  }
0xa4: {  	s25 =	simm.s32 $0x1B8E;
	s24 =	sld [smem:$0x3FFE];
	[sflag:s23] =	ssyncadd.s32 $0xFFFFFFFF  }
0xa5: {  	s26 =	simm.s32 $execute0_lowered;
	[smem:$0x3FD2] =	sst s25  }
0xa6: {  	s5 =	sshll.u32 s26, $0x1;
	_ =	strace $0x80000049;
	[dreg:$0x1] =	wrdreg $0xFFFFFFFF  }
0xa7: {  	s28 =	simm.s32 $_size_execute0_lowered;
	s3 =	sadd.s32 s3, s5;
	[dreg:$0x0] =	wrdreg $0x0  }
0xa8: {  	s5 =	sshll.u32 s28, $0x1;
	[dreg:$0x2] =	wrdreg s3  }
0xa9: {  	[dreg:$0x3] =	wrdreg s5  }
0xaa: {  	[dreg:$0x4] =	wrdreg $0xC0  }
0xab: {  	_ =	task [dreg:s7], $0x5FFFF  }
0xac: {  	[dreg:$0x1] =	wrdreg $0xFFFFFFFF  }
0xad: {  	[dreg:$0x0] =	wrdreg $0x60  }
0xae: {  	[dreg:$0x2] =	wrdreg s2  }
0xaf: {  	[dreg:$0x3] =	wrdreg s24  }
0xb0: {  	[dreg:$0x4] =	wrdreg $0x90000  }
0xb1: {  	[dreg:$0x5] =	wrdreg $0x9  }
0xb2: {  	_ =	task.clear_ibuf [dreg:s7], $0x6FFFF;
	_ =	strace $0x90000049  }
0xb3: {  	s29 =	simm.s32 $0x9;
	_ =	strace $0x8000004B  }
0xb4: {  	_ =	swait.ge [sflag:s29], $0x1  }
0xb5: {  	[sflag:s29] =	ssyncadd.s32 $0xFFFFFFFF  }
0xb6: {  	_ =	strace $0x9000004B  }
0xb7: {  	_ =	sfence  }
0xb8: {  	s30 =	sld [smem:$0x0];
	_ =	sdelay $0x2  }
0xb9: {  	s31 =	sshll.u32 s1, $0xD;
	s1 =	sshrl.u32 s1, $0x2  }
0xba: {  	s3 =	sand.u32 $0x4000, s31;
	s1 =	sadd.s32 s1, s30  }
0xbb: {  	s0 =	sor.u32 s3, s0;
	s1 =	sshll.u32 s1, $0x11  }
0xbc: {  	s0 =	sor.u32 s1, s0  }
0xbd: {  	s0 =	sadd.s32 $0x8F2B, s0  }
0xbe: {  	[sflag:s0] =	ssyncadd.remote.s32 $0x1  }
0xbf: {  	_ =	sfence.sel $0xFFFF  }
0xc0: {  	[dreg:$0x0] =	wrdreg $0xFFFFFFFF;
	(pc) =	sbr.abs _section_cstart, $3  }
0xc1: {  	[dreg:$0x1] =	wrdreg $0xFFFFFFFF  }
0xc2: {  	_ =	task.clear_ibuf [dreg:s7], $0x2FFFF;
	_ =	strace $0x9FFFFFFF  }
0xc3: {  	(tm) =	ssettm $0x7FFFFFFF  }
tec
execute0_lowered:
.L_overlay_start_1:
0x0: {  	(tag) =	ssettag $0x1  }
0x1: {  	s1 =	rddreg [dreg:$0x0]  }
0x2: {  	s6 =	rddreg [dreg:$0x1]  }
0x3: {  	s0 =	srdreg.scid;
	s3 =	rddreg [dreg:$0x2]  }
0x4: {  	s4 =	simm.s32 $0x0;
	s14 =	simm.s32 $0x5000;
	s5 =	sand.u32 $0x1, s0  }
0x5: {  	s15 =	simm.s32 $0x1;
	s0 =	stileid.u32;
	s8 =	smul.u32 $0x140000, s5  }
0x6: {  	s16 =	simm.s32 $0x2800;
	s17 =	simm.s32 $0x80;
	s9 =	smul.u32 $0x14000, s0  }
0x7: {  	[smem:$0x7FF] =	sst s4;
	s2 =	sshll.u32 s5, $0x4;
	s10 =	smul.u32 $0x50000, s0  }
0x8: {  	s5 =	ssub.s32 $0x2, s5;
	s18 =	sshll.u32 s0, $0x6;
	s2 =	sor.u32 s0, s2  }
0x9: {  	s31 =	sshrl.u32 s5, $0x1;
	s18 =	sor.u32 $0x1C01, s18;
	s7 =	smul.u32 $0x500, s2  }
0xa: {  	s2 =	rddreg [dreg:$0x3];
	_ =	strace $0x8000004A;
	s8 =	sadd.s32 s9, s8  }
0xb: {  	s10 =	sshrl.u32 s10, $0x2;
	s9 =	ssub.s32 s5, s31;
	s8 =	sshrl.u32 s8, $0x3  }
0xc: {  	s5 =	sadd.s32 s10, s3;
	s9 =	smax.u32 s9, $0x1;
	s7 =	sadd.s32 s7, s6  }
0xd: {  	s8 =	sadd.s32 s8, s6;
	s10 =	sadd.s32 $0x4000, s5;
	s11 =	sadd.s32 $0x8000, s5  }
0xe: {  	s12 =	sadd.s32 $0xC000, s5;
	s13 =	sadd.s32 $0x10000, s5;
	s19 =	sshrl.u32 s5, $0x3  }
0xf: {  	v0 =	vimm.f32 $0.0e+00;
	s6 =	sadd.s32 $0x5EC00, s7;
	s7 =	sadd.s32 $0x4C00, s7;
	s8 =	sadd.s32 $0xEC00, s8  }
.LBB2_1:
0x10: {  	s20 =	simm.s32 $0x0;
	s21 =	simm.s32 $0x200  }
.LBB2_2:
0x11: {  	p0 =	sne.s32 s21, $0xFE00;
	[tilespmem:s20+$0x5070] =	vst v0  }
0x12: {  	[tilespmem:s20+$0x5000] =	vst v0  }
0x13: {  	[tilespmem:s20+$0x5010] =	vst v0  }
.Ltmp0:
0x14: {  	[tilespmem:s20+$0x5020] =	vst v0;
	(pc) =	sbr.rel @p0 .LBB2_2-.Ltmp0, $4  }
0x15: {  	[tilespmem:s20+$0x5030] =	vst v0  }
0x16: {  	[tilespmem:s20+$0x5040] =	vst v0  }
0x17: {  	[tilespmem:s20+$0x5050] =	vst v0  }
0x18: {  	[tilespmem:s20+$0x5060] =	vst v0;
	s20 =	sshra.s32 s21, $0x2;
	s21 =	sadd.s32 $0x200, s21  }
0x19: {  	[tilespmem:s20+$0x5070] =	vst v0  }
0x1a: {  	[tilespmem:s20+$0x5000] =	vst v0  }
0x1b: {  	[tilespmem:s20+$0x5010] =	vst v0  }
0x1c: {  	[tilespmem:s20+$0x5020] =	vst v0  }
0x1d: {  	[tilespmem:s20+$0x5030] =	vst v0  }
0x1e: {  	[tilespmem:s20+$0x5040] =	vst v0  }
0x1f: {  	[tilespmem:s20+$0x5050] =	vst v0  }
0x20: {  	[tilespmem:s20+$0x5060] =	vst v0  }
0x21: {  	[spmem:s5] =	stream.linear.scatter [tilespmem:s14], [sflag:$0x1], $0x4000, $0x38;
	[tilespmem:$0x1D000] =	vst v63  }
0x22: {  	_ =	swait.ge [sflag:s15], $0x4000  }
0x23: {  	[sflag:s15] =	ssyncset.done $0x0  }
0x24: {  	[sflag:s15] =	ssyncadd.s32 $0xFFFFC000  }
0x25: {  	[spmem:s10] =	stream.linear.scatter [tilespmem:s14], [sflag:$0x1], $0x4000, $0x38;
	[tilespmem:$0x1D000] =	vst v63  }
0x26: {  	_ =	swait.ge [sflag:s15], $0x4000  }
0x27: {  	[sflag:s15] =	ssyncset.done $0x0  }
0x28: {  	[sflag:s15] =	ssyncadd.s32 $0xFFFFC000  }
0x29: {  	[spmem:s11] =	stream.linear.scatter [tilespmem:s14], [sflag:$0x1], $0x4000, $0x38;
	[tilespmem:$0x1D000] =	vst v63  }
0x2a: {  	_ =	swait.ge [sflag:s15], $0x4000  }
0x2b: {  	[sflag:s15] =	ssyncset.done $0x0  }
0x2c: {  	[sflag:s15] =	ssyncadd.s32 $0xFFFFC000  }
0x2d: {  	[spmem:s12] =	stream.linear.scatter [tilespmem:s14], [sflag:$0x1], $0x4000, $0x38;
	[tilespmem:$0x1D000] =	vst v63  }
0x2e: {  	_ =	swait.ge [sflag:s15], $0x4000  }
0x2f: {  	[sflag:s15] =	ssyncset.done $0x0  }
0x30: {  	[sflag:s15] =	ssyncadd.s32 $0xFFFFC000  }
0x31: {  	[spmem:s13] =	stream.linear.scatter [tilespmem:s14], [sflag:$0x1], $0x4000, $0x38;
	[tilespmem:$0x1D000] =	vst v63  }
0x32: {  	_ =	swait.ge [sflag:s15], $0x4000  }
0x33: {  	[sflag:s15] =	ssyncset.done $0x0  }
0x34: {  	[sflag:s15] =	ssyncadd.s32 $0xFFFFC000  }
0x35: {  	s29 =	simm.s32 $0x0;
	[bflag:$0x0] =	sbarrier.arrive $0xFFFF  }
0x36: {  	[tilespmem:s29], [sflag:$0x1] =	stream.linear.gather [hbm4b:s6+s29], $0x2780, $0x38;
	[tilespmem:$0x1D000] =	vst v63  }
0x37: {  	_ =	swait.ge [sflag:s15], $0x2780  }
0x38: {  	[sflag:s15] =	ssyncset.done $0x0  }
0x39: {  	[sflag:s15] =	ssyncadd.s32 $0xFFFFD880  }
0x3a: {  	[tilespmem:s16], [sflag:$0x1] =	stream.linear.gather [hbm4b:s7+s29], $0x2780, $0x38;
	[tilespmem:$0x1D000] =	vst v63  }
0x3b: {  	_ =	swait.ge [sflag:s15], $0x2780  }
0x3c: {  	[sflag:s15] =	ssyncset.done $0x0  }
0x3d: {  	s30 =	simm.s32 $0x0;
	[sflag:s15] =	ssyncadd.s32 $0xFFFFD880  }
0x3e: {  	[tilespmem:s14], [sflag:$0x1] =	stream.indirect.gather [hbm4b:s1+s17], $0x80, s30, s17, $0xb8;
	[tilespmem:$0x1D000] =	vst v63  }
0x3f: {  	_ =	swait.ge [sflag:s15], $0x4000  }
0x40: {  	[sflag:s15] =	ssyncset.done $0x0  }
0x41: {  	s31 =	simm.s32 $0x2800;
	[sflag:s15] =	ssyncadd.s32 $0xFFFFC000  }
0x42: {  	[spmem:s3] =	stream.indirect.scatter.add.f32 [tilespmem:s14], [sflag:$0x1], $0x80, s31, s17, $0xb8;
	[tilespmem:$0x1D000] =	vst v63  }
0x43: {  	_ =	swait.ge [sflag:s15], $0x4000  }
0x44: {  	s20 =	simm.s32 $0x200;
	s21 =	simm.s32 $0x400;
	[sflag:s15] =	ssyncset.done $0x0  }
.LBB2_4:
0x45: {  	s22 =	sshra.s32 s20, $0x2  }
0x46: {  	[sflag:s15] =	ssyncadd.s32 $0xFFFFC000;
	s20 =	smov.u32 s21;
	s23 =	sadd.s32 $0x200, s21  }
0x47: {  	[tilespmem:s14], [sflag:$0x1] =	stream.indirect.gather [hbm4b:s1+s17], $0x80, s22, s17, $0xb8;
	[tilespmem:$0x1D000] =	vst v63  }
0x48: {  	p0 =	sne.s32 s21, $0x9C00;
	_ =	swait.ge [sflag:s15], $0x4000  }
.Ltmp1:
0x49: {  	[sflag:s15] =	ssyncset.done $0x0;
	(pc) =	sbr.rel @p0 .LBB2_4-.Ltmp1, $4  }
0x4a: {  	s21 =	sadd.s32 $0x2800, s22;
	[sflag:s15] =	ssyncadd.s32 $0xFFFFC000  }
0x4b: {  	[spmem:s3] =	stream.indirect.scatter.add.f32 [tilespmem:s14], [sflag:$0x1], $0x80, s21, s17, $0xb8;
	[tilespmem:$0x1D000] =	vst v63  }
0x4c: {  	_ =	swait.ge [sflag:s15], $0x4000  }
0x4d: {  	s21 =	smov.u32 s23;
	[sflag:s15] =	ssyncset.done $0x0  }
0x4e: {  	s20 =	sshra.s32 s20, $0x2;
	[sflag:s15] =	ssyncadd.s32 $0xFFFFC000  }
0x4f: {  	[tilespmem:s14], [sflag:$0x1] =	stream.indirect.gather [hbm4b:s1+s17], $0x80, s20, s17, $0xb8;
	[tilespmem:$0x1D000] =	vst v63  }
0x50: {  	_ =	swait.ge [sflag:s15], $0x4000  }
0x51: {  	[sflag:s15] =	ssyncset.done $0x0  }
0x52: {  	s20 =	sadd.s32 $0x2800, s20;
	[sflag:s15] =	ssyncadd.s32 $0xFFFFC000  }
0x53: {  	[spmem:s3] =	stream.indirect.scatter.add.f32 [tilespmem:s14], [sflag:$0x1], $0x80, s20, s17, $0xb8;
	[tilespmem:$0x1D000] =	vst v63  }
0x54: {  	_ =	swait.ge [sflag:s15], $0x4000  }
0x55: {  	s4 =	sadd.s32 $0x1, s4;
	[sflag:s15] =	ssyncset.done $0x0  }
0x56: {  	p0 =	sne.s32 s4, s9;
	[sflag:s15] =	ssyncadd.s32 $0xFFFFC000  }
.Ltmp2:
0x57: {  	[bflag:$0x0] =	sbarrier.arrive $0xFFFF;
	(pc) =	sbr.rel @p0 .LBB2_1-.Ltmp2, $4  }
0x58: {  	[hbm:s8], [sflag:s18] =	dma.local [spmem:s19], $0x2800  }
0x59: {  	_ =	swait.ge [sflag:s15], $0x2800  }
0x5a: {  	[sflag:s15] =	ssyncset.done $0x0  }
0x5b: {  	[sflag:s15] =	ssyncadd.s32 $0xFFFFD800  }
0x5c: {  	_ =	sfence.sel $0x180000  }
0x5d: {  	[bflag:$0x0] =	sbarrier.arrive $0xFFFF  }
0x5e: {  	p0 =	sne.s32 s0, $0x0;
	_ =	strace $0x9000004A  }
0x5f: {  	s0 =	sadd.s32 @!p0 $0x100000, s2;
	[bflag:$0x2] =	sbarrier.arrive $0xFFFF  }
0x60: {  	[sflag:s0] =	ssyncadd.tile.s32 @!p0 $0x1;
	_ =	shalt  }
.Lfunc_end2:
_tile_overlayer_lowered:
.L_overlay_start_2:
0x61: {  	(tag) =	ssettag $0x2  }
0x62: {  	s0 =	rddreg [dreg:$0x0];
	s2 =	stileid.u32  }
0x63: {  	s1 =	rddreg [dreg:$0x1];
	p0 =	sne.s32 s2, $0x0  }
0x64: {  	s3 =	rddreg [dreg:$0x2];
	[bflag:$0x3] =	sbarrier.arrive $0xFFFF;
	s2 =	simm.s32 @!p0 $0x1C01  }
0x65: {  	[timem:s3], [sflag:s2] =	dma.local @!p0 [hbm:s0], s1  }
0x66: {  	s0 =	simm.s32 @!p0 $0x1  }
0x67: {  	_ =	swait.ge @!p0 [sflag:s0], s1  }
0x68: {  	s1 =	ssub.s32 @!p0 $0x0, s1;
	[sflag:s0] =	ssyncset.done @!p0 $0x0  }
0x69: {  	[sflag:s0] =	ssyncadd.s32 @!p0 s1  }
0x6a: {  	[bflag:$0x3] =	sbarrier.arrive $0xFFFF  }
0x6b: {  	_ =	shalt  }

// kernel: kernel.16.cloned.1.call-start
scs
__scs_entry_jumppad:
0x0: {  	(pc) =	sbr.rel $0x88, $3  }
0x1: {  	(tag) =	ssettag $0x0;
	lr =	simm.s32 $0x1  }
0x2: {  	[smem:$0x3F8D] =	sst lr;
	_ =	strace $0xD0000000  }
0x3: {  	_ = 	snop  }
0x4: {  	_ = 	snop  }
0x5: {  	_ = 	snop  }
0x6: {  	_ = 	snop  }
0x7: {  	_ = 	snop  }
__scs_overlays_trampoline_lowered:
0x8: {  	[smem:$0x3F9C] =	sst s0  }
0x9: {  	[smem:$0x3F9D] =	sst s1  }
0xa: {  	[smem:$0x3F9E] =	sst s2  }
0xb: {  	[smem:$0x3F9F] =	sst s3  }
0xc: {  	[smem:$0x3FA0] =	sst s4  }
0xd: {  	[smem:$0x3FA1] =	sst s5  }
0xe: {  	[smem:$0x3FA2] =	sst s6  }
0xf: {  	[smem:$0x3FA3] =	sst s7  }
0x10: {  	[smem:$0x3FA4] =	sst s8  }
0x11: {  	[smem:$0x3FA5] =	sst s9;
	s0 =	simm.s32 @!p0 $0x0  }
0x12: {  	s1 =	sld [smem:$0x3F8B];
	s0 =	simm.s32 @p0 $0x1  }
0x13: {  	[smem:$0x3FA6] =	sst s0;
	s0 =	simm.s32 @!p1 $0x0  }
0x14: {  	s2 =	sld [smem:$0x3F8A];
	s0 =	simm.s32 @p1 $0x1  }
0x15: {  	[smem:$0x3FA7] =	sst s0;
	s0 =	simm.s32 @!p2 $0x0  }
0x16: {  	s3 =	sld [smem:$0x3FDB];
	s0 =	simm.s32 @p2 $0x1  }
0x17: {  	s4 =	simm.s32 $0x1BF5;
	[smem:$0x3FA9] =	sst s0  }
0x18: {  	s0 =	sld [smem:$0x3F8C];
	_ =	swait.ge [sflag:s4], $0x0  }
0x19: {  	s7 =	sld [smem:$0x3F8D]  }
0x1a: {  	s8 =	sadd.s32 $0xFFFFE003, lr  }
0x1b: {  	s9 =	sadd.s32 $0xFFFFFEF7, lr;
	s5 =	simm.s32 $0xFFFFFFFF;
	p2 =	slt.u32 s8, $0xFFFFF086  }
0x1c: {  	p1 =	slt.u32 s9, $0xF7A;
	s5 =	simm.s32 @!p2 $0x0  }
0x1d: {  	s5 =	simm.s32 @p1 $0x1;
	p0 =	seq.s32 s7, s2  }
0x1e: {  	s7 =	smul.u32 @!p0 $0xF7A, s2;
	p2 =	seq.s32 @!p0 s5, $0x0  }
0x1f: {  	s9 =	smul.u32 $0xF7A, s1;
	s8 =	simm.s32 @!p0 $0x1BF5;
	p2 =	por !p2, p0  }
0x20: {  	[sflag:s8] =	ssyncset.s32 @!p0 $0xFFFFF086;
	s6 =	sadd.s32 @!p0 s3, s7;
	s7 =	simm.s32 @!p0 $0x108  }
0x21: {  	s3 =	sadd.s32 s3, s9;
	s6 =	sadd.s32 @!p0 $0x88, s6;
	s7 =	simm.s32 @p2 $0x1082  }
0x22: {  	[simem:s7], [sflag:s8] =	dma.local @!p0 [hbm:s6], $0xF7A  }
0x23: {  	s9 =	sor.u32 $0xD0000000, s2;
	s6 =	simm.s32 $0x108;
	_ =	swait.ge @!p0 [sflag:s8], $0x0  }
0x24: {  	s3 =	sadd.s32 $0x88, s3;
	s6 =	simm.s32 @!p1 $0x1082;
	[sflag:s4] =	ssyncset.s32 $0xFFFFF086  }
0x25: {  	[simem:s6], [sflag:s4] =	dma.local [hbm:s3], $0xF7A  }
0x26: {  	[smem:$0x3F8D] =	sst s1;
	(tag) =	ssettag s2;
	_ =	strace s9  }
0x27: {  	s1 =	sld [smem:$0x3F9D]  }
0x28: {  	s2 =	sld [smem:$0x3F9E]  }
0x29: {  	s4 =	sld [smem:$0x3FA0]  }
0x2a: {  	p0 =	seq.s32 s5, $0x0;
	s5 =	sld [smem:$0x3FA1]  }
0x2b: {  	s6 =	sld [smem:$0x3FA2]  }
0x2c: {  	s7 =	sld [smem:$0x3FA3]  }
0x2d: {  	s3 =	simm.s32 $0x108;
	s8 =	sld [smem:$0x3FA4]  }
0x2e: {  	s3 =	simm.s32 @!p0 $0x1082;
	s9 =	sld [smem:$0x3FA5]  }
0x2f: {  	lr =	sadd.s32 s0, s3;
	s0 =	sld [smem:$0x3F9C]  }
0x30: {  	s3 =	sld [smem:$0x3F9F]  }
0x31: {  	[smem:$0x3FA8] =	sst s10  }
0x32: {  	s10 =	sld [smem:$0x3FA6];
	_ =	sdelay $0x3  }
0x33: {  	p0 =	seq.s32 s10, $0x1;
	s10 =	sld [smem:$0x3FA8];
	_ =	sdelay $0x3  }
0x34: {  	[smem:$0x3FA8] =	sst s10  }
0x35: {  	s10 =	sld [smem:$0x3FA7];
	_ =	sdelay $0x3  }
0x36: {  	p1 =	seq.s32 s10, $0x1;
	s10 =	sld [smem:$0x3FA8];
	_ =	sdelay $0x3  }
0x37: {  	[smem:$0x3FA8] =	sst s10  }
0x38: {  	s10 =	sld [smem:$0x3FA9]  }
0x39: {  	_ = 	snop;
	(pc) =	sbr.ind lr, $3  }
0x3a: {  	_ = 	snop  }
0x3b: {  	_ = 	snop  }
0x3c: {  	p2 =	seq.s32 s10, $0x1;
	s10 =	sld [smem:$0x3FA8]  }
0x3d: {  	_ =	shalt  }
0x3e: {  	_ =	shalt  }
0x3f: {  	_ =	shalt  }
0x40: {  	_ =	shalt  }
0x41: {  	_ =	shalt  }
0x42: {  	_ =	shalt  }
0x43: {  	_ =	shalt  }
0x44: {  	_ =	shalt  }
0x45: {  	_ =	shalt  }
0x46: {  	_ =	shalt  }
0x47: {  	_ =	shalt  }
0x48: {  	_ =	shalt  }
0x49: {  	_ =	shalt  }
0x4a: {  	_ =	shalt  }
0x4b: {  	_ =	shalt  }
0x4c: {  	_ =	shalt  }
0x4d: {  	_ =	shalt  }
0x4e: {  	_ =	shalt  }
0x4f: {  	_ =	shalt  }
0x50: {  	_ =	shalt  }
0x51: {  	_ =	shalt  }
0x52: {  	_ =	shalt  }
0x53: {  	_ =	shalt  }
0x54: {  	_ =	shalt  }
0x55: {  	_ =	shalt  }
0x56: {  	_ =	shalt  }
0x57: {  	_ =	shalt  }
0x58: {  	_ =	shalt  }
0x59: {  	_ =	shalt  }
0x5a: {  	_ =	shalt  }
0x5b: {  	_ =	shalt  }
0x5c: {  	_ =	shalt  }
0x5d: {  	_ =	shalt  }
0x5e: {  	_ =	shalt  }
0x5f: {  	_ =	shalt  }
0x60: {  	_ =	shalt  }
0x61: {  	_ =	shalt  }
0x62: {  	_ =	shalt  }
0x63: {  	_ =	shalt  }
0x64: {  	_ =	shalt  }
0x65: {  	_ =	shalt  }
0x66: {  	_ =	shalt  }
0x67: {  	_ =	shalt  }
0x68: {  	_ =	shalt  }
0x69: {  	_ =	shalt  }
0x6a: {  	_ =	shalt  }
0x6b: {  	_ =	shalt  }
0x6c: {  	_ =	shalt  }
0x6d: {  	_ =	shalt  }
0x6e: {  	_ =	shalt  }
0x6f: {  	_ =	shalt  }
0x70: {  	_ =	shalt  }
0x71: {  	_ =	shalt  }
0x72: {  	_ =	shalt  }
0x73: {  	_ =	shalt  }
0x74: {  	_ =	shalt  }
0x75: {  	_ =	shalt  }
0x76: {  	_ =	shalt  }
0x77: {  	_ =	shalt  }
0x78: {  	_ =	shalt  }
0x79: {  	_ =	shalt  }
0x7a: {  	_ =	shalt  }
0x7b: {  	_ =	shalt  }
0x7c: {  	_ =	shalt  }
0x7d: {  	_ =	shalt  }
0x7e: {  	_ =	shalt  }
0x7f: {  	_ =	shalt  }
0x80: {  	_ =	shalt  }
0x81: {  	_ =	shalt  }
0x82: {  	_ =	shalt  }
0x83: {  	_ =	shalt  }
0x84: {  	_ =	shalt  }
0x85: {  	_ =	shalt  }
0x86: {  	_ =	shalt  }
0x87: {  	_ =	shalt  }
.Lfunc_end0:
.L_simem_size_0:
called_computation.2_lowered:
.L_overlay_start_0:
0x88: {  	s2 =	sld [smem:$0x3FD9]  }
0x89: {  	s3 =	sld [smem:$0x3FFE];
	_ =	sdelay $0x1  }
0x8a: {  	s1 =	srdreg.scid  }
0x8b: {  	s0 =	sand.u32 $0x1, s1  }
0x8c: {  	s17 =	sshll.u32 s0, $0xA;
	s2 =	sadd.s32 s3, s2  }
0x8d: {  	s2 =	sadd.s32 s2, s17  }
0x8e: {  	[smem:$0x3FB4] =	sst s2  }
0x8f: {  	_ = 	snop  }
0x90: {  	s2 =	sld [smem:$0x3FD0];
	(tm) =	ssettm $0x1  }
0x91: {  	s18 =	sld [smem:$0x3FFB];
	_ =	sdelay $0x3  }
0x92: {  	_ =	strace s18  }
0x93: {  	s3 =	sld [smem:$0x3FFC];
	_ =	sdelay $0x3  }
0x94: {  	_ =	strace s3  }
0x95: {  	s3 =	sld [smem:$0x3FFD];
	_ =	sdelay $0x3  }
0x96: {  	_ =	strace s3  }
0x97: {  	_ =	strace $0x8FFFFFFF  }
0x98: {  	s19 =	sld [smem:$0x3FDB];
	_ =	sdelay $0x1  }
0x99: {  	s4 =	simm.s32 $_scs_section_size  }
0x9a: {  	s5 =	simm.s32 $_size__tile_overlayer_lowered;
	s6 =	simm.s32 $_tile_overlayer_lowered  }
0x9b: {  	s22 =	simm.s32 $0x1BFF;
	s21 =	sshll.u32 s6, $0x1;
	s3 =	sadd.s32 s4, s19  }
0x9c: {  	s7 =	simm.s32 $0x0;
	s20 =	sshll.u32 s5, $0x1;
	s5 =	sadd.s32 s21, s3  }
0x9d: {  	[timem:s7], [sflag:s22] =	dma.local [hbm:s5], s20  }
0x9e: {  	_ =	swait.ge [sflag:s22], s20  }
0x9f: {  	s4 =	ssub.s32 $0x0, s20;
	[sflag:s22] =	ssyncset.done $0x0  }
0xa0: {  	[sflag:s22] =	ssyncadd.s32 s4;
	_ =	sdelay $0x1  }
0xa1: {  	s23 =	simm.s32 $0x1B8B  }
0xa2: {  	_ =	swait.ge [sflag:s23], $0x1  }
0xa3: {  	[sflag:s23] =	ssyncset.done $0x0  }
0xa4: {  	s25 =	simm.s32 $0x1B8E;
	s24 =	sld [smem:$0x3FFE];
	[sflag:s23] =	ssyncadd.s32 $0xFFFFFFFF  }
0xa5: {  	s26 =	simm.s32 $execute0_lowered;
	[smem:$0x3FD2] =	sst s25  }
0xa6: {  	s5 =	sshll.u32 s26, $0x1;
	_ =	strace $0x8000004C;
	[dreg:$0x1] =	wrdreg $0xFFFFFFFF  }
0xa7: {  	s28 =	simm.s32 $_size_execute0_lowered;
	s3 =	sadd.s32 s3, s5;
	[dreg:$0x0] =	wrdreg $0x0  }
0xa8: {  	s5 =	sshll.u32 s28, $0x1;
	[dreg:$0x2] =	wrdreg s3  }
0xa9: {  	[dreg:$0x3] =	wrdreg s5  }
0xaa: {  	[dreg:$0x4] =	wrdreg $0xC0  }
0xab: {  	_ =	task [dreg:s7], $0x5FFFF  }
0xac: {  	[dreg:$0x1] =	wrdreg $0xFFFFFFFF  }
0xad: {  	[dreg:$0x0] =	wrdreg $0x60  }
0xae: {  	[dreg:$0x2] =	wrdreg s2  }
0xaf: {  	[dreg:$0x3] =	wrdreg s24  }
0xb0: {  	[dreg:$0x4] =	wrdreg $0x90000  }
0xb1: {  	[dreg:$0x5] =	wrdreg $0x9  }
0xb2: {  	_ =	task.clear_ibuf [dreg:s7], $0x6FFFF;
	_ =	strace $0x9000004C  }
0xb3: {  	s29 =	simm.s32 $0x9;
	_ =	strace $0x8000004E  }
0xb4: {  	_ =	swait.ge [sflag:s29], $0x1  }
0xb5: {  	[sflag:s29] =	ssyncadd.s32 $0xFFFFFFFF  }
0xb6: {  	_ =	strace $0x9000004E  }
0xb7: {  	_ =	sfence  }
0xb8: {  	s30 =	sld [smem:$0x0];
	_ =	sdelay $0x2  }
0xb9: {  	s31 =	sshll.u32 s1, $0xD;
	s1 =	sshrl.u32 s1, $0x2  }
0xba: {  	s3 =	sand.u32 $0x4000, s31;
	s1 =	sadd.s32 s1, s30  }
0xbb: {  	s0 =	sor.u32 s3, s0;
	s1 =	sshll.u32 s1, $0x11  }
0xbc: {  	s0 =	sor.u32 s1, s0  }
0xbd: {  	s0 =	sadd.s32 $0x8F2B, s0  }
0xbe: {  	[sflag:s0] =	ssyncadd.remote.s32 $0x1  }
0xbf: {  	_ =	sfence.sel $0xFFFF  }
0xc0: {  	[dreg:$0x0] =	wrdreg $0xFFFFFFFF;
	(pc) =	sbr.abs _section_cstart, $3  }
0xc1: {  	[dreg:$0x1] =	wrdreg $0xFFFFFFFF  }
0xc2: {  	_ =	task.clear_ibuf [dreg:s7], $0x2FFFF;
	_ =	strace $0x9FFFFFFF  }
0xc3: {  	(tm) =	ssettm $0x7FFFFFFF  }
tec
execute0_lowered:
.L_overlay_start_1:
0x0: {  	(tag) =	ssettag $0x1  }
0x1: {  	s1 =	rddreg [dreg:$0x0]  }
0x2: {  	s6 =	rddreg [dreg:$0x1]  }
0x3: {  	s0 =	srdreg.scid;
	s3 =	rddreg [dreg:$0x2]  }
0x4: {  	s4 =	simm.s32 $0x0;
	s14 =	simm.s32 $0x5000;
	s5 =	sand.u32 $0x1, s0  }
0x5: {  	s15 =	simm.s32 $0x1;
	s0 =	stileid.u32;
	s8 =	smul.u32 $0x140000, s5  }
0x6: {  	s16 =	simm.s32 $0x2800;
	s17 =	simm.s32 $0x80;
	s9 =	smul.u32 $0x14000, s0  }
0x7: {  	[smem:$0x7FF] =	sst s4;
	s2 =	sshll.u32 s5, $0x4;
	s10 =	smul.u32 $0x50000, s0  }
0x8: {  	s5 =	ssub.s32 $0x2, s5;
	s18 =	sshll.u32 s0, $0x6;
	s2 =	sor.u32 s0, s2  }
0x9: {  	s31 =	sshrl.u32 s5, $0x1;
	s18 =	sor.u32 $0x1C01, s18;
	s7 =	smul.u32 $0x500, s2  }
0xa: {  	s2 =	rddreg [dreg:$0x3];
	_ =	strace $0x8000004D;
	s8 =	sadd.s32 s9, s8  }
0xb: {  	s10 =	sshrl.u32 s10, $0x2;
	s9 =	ssub.s32 s5, s31;
	s8 =	sshrl.u32 s8, $0x3  }
0xc: {  	s5 =	sadd.s32 s10, s3;
	s9 =	smax.u32 s9, $0x1;
	s7 =	sadd.s32 s7, s6  }
0xd: {  	s8 =	sadd.s32 s8, s6;
	s10 =	sadd.s32 $0x4000, s5;
	s11 =	sadd.s32 $0x8000, s5  }
0xe: {  	s12 =	sadd.s32 $0xC000, s5;
	s13 =	sadd.s32 $0x10000, s5;
	s19 =	sshrl.u32 s5, $0x3  }
0xf: {  	v0 =	vimm.f32 $0.0e+00;
	s6 =	sadd.s32 $0x5EC00, s7;
	s7 =	sadd.s32 $0x4C00, s7;
	s8 =	sadd.s32 $0xEC00, s8  }
.LBB2_1:
0x10: {  	s20 =	simm.s32 $0x0;
	s21 =	simm.s32 $0x200  }
.LBB2_2:
0x11: {  	p0 =	sne.s32 s21, $0xFE00;
	[tilespmem:s20+$0x5070] =	vst v0  }
0x12: {  	[tilespmem:s20+$0x5000] =	vst v0  }
0x13: {  	[tilespmem:s20+$0x5010] =	vst v0  }
.Ltmp0:
0x14: {  	[tilespmem:s20+$0x5020] =	vst v0;
	(pc) =	sbr.rel @p0 .LBB2_2-.Ltmp0, $4  }
0x15: {  	[tilespmem:s20+$0x5030] =	vst v0  }
0x16: {  	[tilespmem:s20+$0x5040] =	vst v0  }
0x17: {  	[tilespmem:s20+$0x5050] =	vst v0  }
0x18: {  	[tilespmem:s20+$0x5060] =	vst v0;
	s20 =	sshra.s32 s21, $0x2;
	s21 =	sadd.s32 $0x200, s21  }
0x19: {  	[tilespmem:s20+$0x5070] =	vst v0  }
0x1a: {  	[tilespmem:s20+$0x5000] =	vst v0  }
0x1b: {  	[tilespmem:s20+$0x5010] =	vst v0  }
0x1c: {  	[tilespmem:s20+$0x5020] =	vst v0  }
0x1d: {  	[tilespmem:s20+$0x5030] =	vst v0  }
0x1e: {  	[tilespmem:s20+$0x5040] =	vst v0  }
0x1f: {  	[tilespmem:s20+$0x5050] =	vst v0  }
0x20: {  	[tilespmem:s20+$0x5060] =	vst v0  }
0x21: {  	[spmem:s5] =	stream.linear.scatter [tilespmem:s14], [sflag:$0x1], $0x4000, $0x38;
	[tilespmem:$0x1D000] =	vst v63  }
0x22: {  	_ =	swait.ge [sflag:s15], $0x4000  }
0x23: {  	[sflag:s15] =	ssyncset.done $0x0  }
0x24: {  	[sflag:s15] =	ssyncadd.s32 $0xFFFFC000  }
0x25: {  	[spmem:s10] =	stream.linear.scatter [tilespmem:s14], [sflag:$0x1], $0x4000, $0x38;
	[tilespmem:$0x1D000] =	vst v63  }
0x26: {  	_ =	swait.ge [sflag:s15], $0x4000  }
0x27: {  	[sflag:s15] =	ssyncset.done $0x0  }
0x28: {  	[sflag:s15] =	ssyncadd.s32 $0xFFFFC000  }
0x29: {  	[spmem:s11] =	stream.linear.scatter [tilespmem:s14], [sflag:$0x1], $0x4000, $0x38;
	[tilespmem:$0x1D000] =	vst v63  }
0x2a: {  	_ =	swait.ge [sflag:s15], $0x4000  }
0x2b: {  	[sflag:s15] =	ssyncset.done $0x0  }
0x2c: {  	[sflag:s15] =	ssyncadd.s32 $0xFFFFC000  }
0x2d: {  	[spmem:s12] =	stream.linear.scatter [tilespmem:s14], [sflag:$0x1], $0x4000, $0x38;
	[tilespmem:$0x1D000] =	vst v63  }
0x2e: {  	_ =	swait.ge [sflag:s15], $0x4000  }
0x2f: {  	[sflag:s15] =	ssyncset.done $0x0  }
0x30: {  	[sflag:s15] =	ssyncadd.s32 $0xFFFFC000  }
0x31: {  	[spmem:s13] =	stream.linear.scatter [tilespmem:s14], [sflag:$0x1], $0x4000, $0x38;
	[tilespmem:$0x1D000] =	vst v63  }
0x32: {  	_ =	swait.ge [sflag:s15], $0x4000  }
0x33: {  	[sflag:s15] =	ssyncset.done $0x0  }
0x34: {  	[sflag:s15] =	ssyncadd.s32 $0xFFFFC000  }
0x35: {  	s29 =	simm.s32 $0x0;
	[bflag:$0x0] =	sbarrier.arrive $0xFFFF  }
0x36: {  	[tilespmem:s29], [sflag:$0x1] =	stream.linear.gather [hbm4b:s6+s29], $0x2780, $0x38;
	[tilespmem:$0x1D000] =	vst v63  }
0x37: {  	_ =	swait.ge [sflag:s15], $0x2780  }
0x38: {  	[sflag:s15] =	ssyncset.done $0x0  }
0x39: {  	[sflag:s15] =	ssyncadd.s32 $0xFFFFD880  }
0x3a: {  	[tilespmem:s16], [sflag:$0x1] =	stream.linear.gather [hbm4b:s7+s29], $0x2780, $0x38;
	[tilespmem:$0x1D000] =	vst v63  }
0x3b: {  	_ =	swait.ge [sflag:s15], $0x2780  }
0x3c: {  	[sflag:s15] =	ssyncset.done $0x0  }
0x3d: {  	s30 =	simm.s32 $0x0;
	[sflag:s15] =	ssyncadd.s32 $0xFFFFD880  }
0x3e: {  	[tilespmem:s14], [sflag:$0x1] =	stream.indirect.gather [hbm4b:s1+s17], $0x80, s30, s17, $0xb8;
	[tilespmem:$0x1D000] =	vst v63  }
0x3f: {  	_ =	swait.ge [sflag:s15], $0x4000  }
0x40: {  	[sflag:s15] =	ssyncset.done $0x0  }
0x41: {  	s31 =	simm.s32 $0x2800;
	[sflag:s15] =	ssyncadd.s32 $0xFFFFC000  }
0x42: {  	[spmem:s3] =	stream.indirect.scatter.add.f32 [tilespmem:s14], [sflag:$0x1], $0x80, s31, s17, $0xb8;
	[tilespmem:$0x1D000] =	vst v63  }
0x43: {  	_ =	swait.ge [sflag:s15], $0x4000  }
0x44: {  	s20 =	simm.s32 $0x200;
	s21 =	simm.s32 $0x400;
	[sflag:s15] =	ssyncset.done $0x0  }
.LBB2_4:
0x45: {  	s22 =	sshra.s32 s20, $0x2  }
0x46: {  	[sflag:s15] =	ssyncadd.s32 $0xFFFFC000;
	s20 =	smov.u32 s21;
	s23 =	sadd.s32 $0x200, s21  }
0x47: {  	[tilespmem:s14], [sflag:$0x1] =	stream.indirect.gather [hbm4b:s1+s17], $0x80, s22, s17, $0xb8;
	[tilespmem:$0x1D000] =	vst v63  }
0x48: {  	p0 =	sne.s32 s21, $0x9C00;
	_ =	swait.ge [sflag:s15], $0x4000  }
.Ltmp1:
0x49: {  	[sflag:s15] =	ssyncset.done $0x0;
	(pc) =	sbr.rel @p0 .LBB2_4-.Ltmp1, $4  }
0x4a: {  	s21 =	sadd.s32 $0x2800, s22;
	[sflag:s15] =	ssyncadd.s32 $0xFFFFC000  }
0x4b: {  	[spmem:s3] =	stream.indirect.scatter.add.f32 [tilespmem:s14], [sflag:$0x1], $0x80, s21, s17, $0xb8;
	[tilespmem:$0x1D000] =	vst v63  }
0x4c: {  	_ =	swait.ge [sflag:s15], $0x4000  }
0x4d: {  	s21 =	smov.u32 s23;
	[sflag:s15] =	ssyncset.done $0x0  }
0x4e: {  	s20 =	sshra.s32 s20, $0x2;
	[sflag:s15] =	ssyncadd.s32 $0xFFFFC000  }
0x4f: {  	[tilespmem:s14], [sflag:$0x1] =	stream.indirect.gather [hbm4b:s1+s17], $0x80, s20, s17, $0xb8;
	[tilespmem:$0x1D000] =	vst v63  }
0x50: {  	_ =	swait.ge [sflag:s15], $0x4000  }
0x51: {  	[sflag:s15] =	ssyncset.done $0x0  }
0x52: {  	s20 =	sadd.s32 $0x2800, s20;
	[sflag:s15] =	ssyncadd.s32 $0xFFFFC000  }
0x53: {  	[spmem:s3] =	stream.indirect.scatter.add.f32 [tilespmem:s14], [sflag:$0x1], $0x80, s20, s17, $0xb8;
	[tilespmem:$0x1D000] =	vst v63  }
0x54: {  	_ =	swait.ge [sflag:s15], $0x4000  }
0x55: {  	s4 =	sadd.s32 $0x1, s4;
	[sflag:s15] =	ssyncset.done $0x0  }
0x56: {  	p0 =	sne.s32 s4, s9;
	[sflag:s15] =	ssyncadd.s32 $0xFFFFC000  }
.Ltmp2:
0x57: {  	[bflag:$0x0] =	sbarrier.arrive $0xFFFF;
	(pc) =	sbr.rel @p0 .LBB2_1-.Ltmp2, $4  }
0x58: {  	[hbm:s8], [sflag:s18] =	dma.local [spmem:s19], $0x2800  }
0x59: {  	_ =	swait.ge [sflag:s15], $0x2800  }
0x5a: {  	[sflag:s15] =	ssyncset.done $0x0  }
0x5b: {  	[sflag:s15] =	ssyncadd.s32 $0xFFFFD800  }
0x5c: {  	_ =	sfence.sel $0x180000  }
0x5d: {  	[bflag:$0x0] =	sbarrier.arrive $0xFFFF  }
0x5e: {  	p0 =	sne.s32 s0, $0x0;
	_ =	strace $0x9000004D  }
0x5f: {  	s0 =	sadd.s32 @!p0 $0x100000, s2;
	[bflag:$0x2] =	sbarrier.arrive $0xFFFF  }
0x60: {  	[sflag:s0] =	ssyncadd.tile.s32 @!p0 $0x1;
	_ =	shalt  }
.Lfunc_end2:
_tile_overlayer_lowered:
.L_overlay_start_2:
0x61: {  	(tag) =	ssettag $0x2  }
0x62: {  	s0 =	rddreg [dreg:$0x0];
	s2 =	stileid.u32  }
0x63: {  	s1 =	rddreg [dreg:$0x1];
	p0 =	sne.s32 s2, $0x0  }
0x64: {  	s3 =	rddreg [dreg:$0x2];
	[bflag:$0x3] =	sbarrier.arrive $0xFFFF;
	s2 =	simm.s32 @!p0 $0x1C01  }
0x65: {  	[timem:s3], [sflag:s2] =	dma.local @!p0 [hbm:s0], s1  }
0x66: {  	s0 =	simm.s32 @!p0 $0x1  }
0x67: {  	_ =	swait.ge @!p0 [sflag:s0], s1  }
0x68: {  	s1 =	ssub.s32 @!p0 $0x0, s1;
	[sflag:s0] =	ssyncset.done @!p0 $0x0  }
0x69: {  	[sflag:s0] =	ssyncadd.s32 @!p0 s1  }
0x6a: {  	[bflag:$0x3] =	sbarrier.arrive $0xFFFF  }
0x6b: {  	_ =	shalt  }

// kernel: kernel.19.cloned.1.call-start
scs
__scs_entry_jumppad:
0x0: {  	(pc) =	sbr.rel $0x88, $3  }
0x1: {  	(tag) =	ssettag $0x0;
	lr =	simm.s32 $0x1  }
0x2: {  	[smem:$0x3F8D] =	sst lr;
	_ =	strace $0xD0000000  }
0x3: {  	_ = 	snop  }
0x4: {  	_ = 	snop  }
0x5: {  	_ = 	snop  }
0x6: {  	_ = 	snop  }
0x7: {  	_ = 	snop  }
__scs_overlays_trampoline_lowered:
0x8: {  	[smem:$0x3F9C] =	sst s0  }
0x9: {  	[smem:$0x3F9D] =	sst s1  }
0xa: {  	[smem:$0x3F9E] =	sst s2  }
0xb: {  	[smem:$0x3F9F] =	sst s3  }
0xc: {  	[smem:$0x3FA0] =	sst s4  }
0xd: {  	[smem:$0x3FA1] =	sst s5  }
0xe: {  	[smem:$0x3FA2] =	sst s6  }
0xf: {  	[smem:$0x3FA3] =	sst s7  }
0x10: {  	[smem:$0x3FA4] =	sst s8  }
0x11: {  	[smem:$0x3FA5] =	sst s9;
	s0 =	simm.s32 @!p0 $0x0  }
0x12: {  	s1 =	sld [smem:$0x3F8B];
	s0 =	simm.s32 @p0 $0x1  }
0x13: {  	[smem:$0x3FA6] =	sst s0;
	s0 =	simm.s32 @!p1 $0x0  }
0x14: {  	s2 =	sld [smem:$0x3F8A];
	s0 =	simm.s32 @p1 $0x1  }
0x15: {  	[smem:$0x3FA7] =	sst s0;
	s0 =	simm.s32 @!p2 $0x0  }
0x16: {  	s3 =	sld [smem:$0x3FDB];
	s0 =	simm.s32 @p2 $0x1  }
0x17: {  	s4 =	simm.s32 $0x1BF5;
	[smem:$0x3FA9] =	sst s0  }
0x18: {  	s0 =	sld [smem:$0x3F8C];
	_ =	swait.ge [sflag:s4], $0x0  }
0x19: {  	s7 =	sld [smem:$0x3F8D]  }
0x1a: {  	s8 =	sadd.s32 $0xFFFFE003, lr  }
0x1b: {  	s9 =	sadd.s32 $0xFFFFFEF7, lr;
	s5 =	simm.s32 $0xFFFFFFFF;
	p2 =	slt.u32 s8, $0xFFFFF086  }
0x1c: {  	p1 =	slt.u32 s9, $0xF7A;
	s5 =	simm.s32 @!p2 $0x0  }
0x1d: {  	s5 =	simm.s32 @p1 $0x1;
	p0 =	seq.s32 s7, s2  }
0x1e: {  	s7 =	smul.u32 @!p0 $0xF7A, s2;
	p2 =	seq.s32 @!p0 s5, $0x0  }
0x1f: {  	s9 =	smul.u32 $0xF7A, s1;
	s8 =	simm.s32 @!p0 $0x1BF5;
	p2 =	por !p2, p0  }
0x20: {  	[sflag:s8] =	ssyncset.s32 @!p0 $0xFFFFF086;
	s6 =	sadd.s32 @!p0 s3, s7;
	s7 =	simm.s32 @!p0 $0x108  }
0x21: {  	s3 =	sadd.s32 s3, s9;
	s6 =	sadd.s32 @!p0 $0x88, s6;
	s7 =	simm.s32 @p2 $0x1082  }
0x22: {  	[simem:s7], [sflag:s8] =	dma.local @!p0 [hbm:s6], $0xF7A  }
0x23: {  	s9 =	sor.u32 $0xD0000000, s2;
	s6 =	simm.s32 $0x108;
	_ =	swait.ge @!p0 [sflag:s8], $0x0  }
0x24: {  	s3 =	sadd.s32 $0x88, s3;
	s6 =	simm.s32 @!p1 $0x1082;
	[sflag:s4] =	ssyncset.s32 $0xFFFFF086  }
0x25: {  	[simem:s6], [sflag:s4] =	dma.local [hbm:s3], $0xF7A  }
0x26: {  	[smem:$0x3F8D] =	sst s1;
	(tag) =	ssettag s2;
	_ =	strace s9  }
0x27: {  	s1 =	sld [smem:$0x3F9D]  }
0x28: {  	s2 =	sld [smem:$0x3F9E]  }
0x29: {  	s4 =	sld [smem:$0x3FA0]  }
0x2a: {  	p0 =	seq.s32 s5, $0x0;
	s5 =	sld [smem:$0x3FA1]  }
0x2b: {  	s6 =	sld [smem:$0x3FA2]  }
0x2c: {  	s7 =	sld [smem:$0x3FA3]  }
0x2d: {  	s3 =	simm.s32 $0x108;
	s8 =	sld [smem:$0x3FA4]  }
0x2e: {  	s3 =	simm.s32 @!p0 $0x1082;
	s9 =	sld [smem:$0x3FA5]  }
0x2f: {  	lr =	sadd.s32 s0, s3;
	s0 =	sld [smem:$0x3F9C]  }
0x30: {  	s3 =	sld [smem:$0x3F9F]  }
0x31: {  	[smem:$0x3FA8] =	sst s10  }
0x32: {  	s10 =	sld [smem:$0x3FA6];
	_ =	sdelay $0x3  }
0x33: {  	p0 =	seq.s32 s10, $0x1;
	s10 =	sld [smem:$0x3FA8];
	_ =	sdelay $0x3  }
0x34: {  	[smem:$0x3FA8] =	sst s10  }
0x35: {  	s10 =	sld [smem:$0x3FA7];
	_ =	sdelay $0x3  }
0x36: {  	p1 =	seq.s32 s10, $0x1;
	s10 =	sld [smem:$0x3FA8];
	_ =	sdelay $0x3  }
0x37: {  	[smem:$0x3FA8] =	sst s10  }
0x38: {  	s10 =	sld [smem:$0x3FA9]  }
0x39: {  	_ = 	snop;
	(pc) =	sbr.ind lr, $3  }
0x3a: {  	_ = 	snop  }
0x3b: {  	_ = 	snop  }
0x3c: {  	p2 =	seq.s32 s10, $0x1;
	s10 =	sld [smem:$0x3FA8]  }
0x3d: {  	_ =	shalt  }
0x3e: {  	_ =	shalt  }
0x3f: {  	_ =	shalt  }
0x40: {  	_ =	shalt  }
0x41: {  	_ =	shalt  }
0x42: {  	_ =	shalt  }
0x43: {  	_ =	shalt  }
0x44: {  	_ =	shalt  }
0x45: {  	_ =	shalt  }
0x46: {  	_ =	shalt  }
0x47: {  	_ =	shalt  }
0x48: {  	_ =	shalt  }
0x49: {  	_ =	shalt  }
0x4a: {  	_ =	shalt  }
0x4b: {  	_ =	shalt  }
0x4c: {  	_ =	shalt  }
0x4d: {  	_ =	shalt  }
0x4e: {  	_ =	shalt  }
0x4f: {  	_ =	shalt  }
0x50: {  	_ =	shalt  }
0x51: {  	_ =	shalt  }
0x52: {  	_ =	shalt  }
0x53: {  	_ =	shalt  }
0x54: {  	_ =	shalt  }
0x55: {  	_ =	shalt  }
0x56: {  	_ =	shalt  }
0x57: {  	_ =	shalt  }
0x58: {  	_ =	shalt  }
0x59: {  	_ =	shalt  }
0x5a: {  	_ =	shalt  }
0x5b: {  	_ =	shalt  }
0x5c: {  	_ =	shalt  }
0x5d: {  	_ =	shalt  }
0x5e: {  	_ =	shalt  }
0x5f: {  	_ =	shalt  }
0x60: {  	_ =	shalt  }
0x61: {  	_ =	shalt  }
0x62: {  	_ =	shalt  }
0x63: {  	_ =	shalt  }
0x64: {  	_ =	shalt  }
0x65: {  	_ =	shalt  }
0x66: {  	_ =	shalt  }
0x67: {  	_ =	shalt  }
0x68: {  	_ =	shalt  }
0x69: {  	_ =	shalt  }
0x6a: {  	_ =	shalt  }
0x6b: {  	_ =	shalt  }
0x6c: {  	_ =	shalt  }
0x6d: {  	_ =	shalt  }
0x6e: {  	_ =	shalt  }
0x6f: {  	_ =	shalt  }
0x70: {  	_ =	shalt  }
0x71: {  	_ =	shalt  }
0x72: {  	_ =	shalt  }
0x73: {  	_ =	shalt  }
0x74: {  	_ =	shalt  }
0x75: {  	_ =	shalt  }
0x76: {  	_ =	shalt  }
0x77: {  	_ =	shalt  }
0x78: {  	_ =	shalt  }
0x79: {  	_ =	shalt  }
0x7a: {  	_ =	shalt  }
0x7b: {  	_ =	shalt  }
0x7c: {  	_ =	shalt  }
0x7d: {  	_ =	shalt  }
0x7e: {  	_ =	shalt  }
0x7f: {  	_ =	shalt  }
0x80: {  	_ =	shalt  }
0x81: {  	_ =	shalt  }
0x82: {  	_ =	shalt  }
0x83: {  	_ =	shalt  }
0x84: {  	_ =	shalt  }
0x85: {  	_ =	shalt  }
0x86: {  	_ =	shalt  }
0x87: {  	_ =	shalt  }
.Lfunc_end0:
.L_simem_size_0:
called_computation.3_lowered:
.L_overlay_start_0:
0x88: {  	s2 =	sld [smem:$0x3FD9]  }
0x89: {  	s3 =	sld [smem:$0x3FFE];
	_ =	sdelay $0x1  }
0x8a: {  	s1 =	srdreg.scid  }
0x8b: {  	s0 =	sand.u32 $0x1, s1  }
0x8c: {  	s17 =	sshll.u32 s0, $0xA;
	s2 =	sadd.s32 s3, s2  }
0x8d: {  	s2 =	sadd.s32 s2, s17  }
0x8e: {  	[smem:$0x3FB4] =	sst s2  }
0x8f: {  	_ = 	snop  }
0x90: {  	s2 =	sld [smem:$0x3FD0];
	(tm) =	ssettm $0x1  }
0x91: {  	s18 =	sld [smem:$0x3FFB];
	_ =	sdelay $0x3  }
0x92: {  	_ =	strace s18  }
0x93: {  	s3 =	sld [smem:$0x3FFC];
	_ =	sdelay $0x3  }
0x94: {  	_ =	strace s3  }
0x95: {  	s3 =	sld [smem:$0x3FFD];
	_ =	sdelay $0x3  }
0x96: {  	_ =	strace s3  }
0x97: {  	_ =	strace $0x8FFFFFFF  }
0x98: {  	s19 =	sld [smem:$0x3FDB];
	_ =	sdelay $0x1  }
0x99: {  	s4 =	simm.s32 $_scs_section_size  }
0x9a: {  	s5 =	simm.s32 $_size__tile_overlayer_lowered;
	s6 =	simm.s32 $_tile_overlayer_lowered  }
0x9b: {  	s22 =	simm.s32 $0x1BFF;
	s21 =	sshll.u32 s6, $0x1;
	s3 =	sadd.s32 s4, s19  }
0x9c: {  	s7 =	simm.s32 $0x0;
	s20 =	sshll.u32 s5, $0x1;
	s5 =	sadd.s32 s21, s3  }
0x9d: {  	[timem:s7], [sflag:s22] =	dma.local [hbm:s5], s20  }
0x9e: {  	_ =	swait.ge [sflag:s22], s20  }
0x9f: {  	s4 =	ssub.s32 $0x0, s20;
	[sflag:s22] =	ssyncset.done $0x0  }
0xa0: {  	[sflag:s22] =	ssyncadd.s32 s4;
	_ =	sdelay $0x1  }
0xa1: {  	s23 =	simm.s32 $0x1B8B  }
0xa2: {  	_ =	swait.ge [sflag:s23], $0x1  }
0xa3: {  	[sflag:s23] =	ssyncset.done $0x0  }
0xa4: {  	s25 =	simm.s32 $0x1B8E;
	s24 =	sld [smem:$0x3FFE];
	[sflag:s23] =	ssyncadd.s32 $0xFFFFFFFF  }
0xa5: {  	s26 =	simm.s32 $execute0_lowered;
	[smem:$0x3FD2] =	sst s25  }
0xa6: {  	s5 =	sshll.u32 s26, $0x1;
	_ =	strace $0x8000004F;
	[dreg:$0x1] =	wrdreg $0xFFFFFFFF  }
0xa7: {  	s28 =	simm.s32 $_size_execute0_lowered;
	s3 =	sadd.s32 s3, s5;
	[dreg:$0x0] =	wrdreg $0x0  }
0xa8: {  	s5 =	sshll.u32 s28, $0x1;
	[dreg:$0x2] =	wrdreg s3  }
0xa9: {  	[dreg:$0x3] =	wrdreg s5  }
0xaa: {  	[dreg:$0x4] =	wrdreg $0xC0  }
0xab: {  	_ =	task [dreg:s7], $0x5FFFF  }
0xac: {  	[dreg:$0x1] =	wrdreg $0xFFFFFFFF  }
0xad: {  	[dreg:$0x0] =	wrdreg $0x60  }
0xae: {  	[dreg:$0x2] =	wrdreg s2  }
0xaf: {  	[dreg:$0x3] =	wrdreg s24  }
0xb0: {  	[dreg:$0x4] =	wrdreg $0x90000  }
0xb1: {  	[dreg:$0x5] =	wrdreg $0x9  }
0xb2: {  	_ =	task.clear_ibuf [dreg:s7], $0x6FFFF;
	_ =	strace $0x9000004F  }
0xb3: {  	s29 =	simm.s32 $0x9;
	_ =	strace $0x80000051  }
0xb4: {  	_ =	swait.ge [sflag:s29], $0x1  }
0xb5: {  	[sflag:s29] =	ssyncadd.s32 $0xFFFFFFFF  }
0xb6: {  	_ =	strace $0x90000051  }
0xb7: {  	_ =	sfence  }
0xb8: {  	s30 =	sld [smem:$0x0];
	_ =	sdelay $0x2  }
0xb9: {  	s31 =	sshll.u32 s1, $0xD;
	s1 =	sshrl.u32 s1, $0x2  }
0xba: {  	s3 =	sand.u32 $0x4000, s31;
	s1 =	sadd.s32 s1, s30  }
0xbb: {  	s0 =	sor.u32 s3, s0;
	s1 =	sshll.u32 s1, $0x11  }
0xbc: {  	s0 =	sor.u32 s1, s0  }
0xbd: {  	s0 =	sadd.s32 $0x8F2B, s0  }
0xbe: {  	[sflag:s0] =	ssyncadd.remote.s32 $0x1  }
0xbf: {  	_ =	sfence.sel $0xFFFF  }
0xc0: {  	[dreg:$0x0] =	wrdreg $0xFFFFFFFF;
	(pc) =	sbr.abs _section_cstart, $3  }
0xc1: {  	[dreg:$0x1] =	wrdreg $0xFFFFFFFF  }
0xc2: {  	_ =	task.clear_ibuf [dreg:s7], $0x2FFFF;
	_ =	strace $0x9FFFFFFF  }
0xc3: {  	(tm) =	ssettm $0x7FFFFFFF  }
tec
execute0_lowered:
.L_overlay_start_1:
0x0: {  	(tag) =	ssettag $0x1  }
0x1: {  	s1 =	rddreg [dreg:$0x0]  }
0x2: {  	s6 =	rddreg [dreg:$0x1]  }
0x3: {  	s0 =	srdreg.scid;
	s3 =	rddreg [dreg:$0x2]  }
0x4: {  	s4 =	simm.s32 $0x0;
	s14 =	simm.s32 $0x5000;
	s5 =	sand.u32 $0x1, s0  }
0x5: {  	s15 =	simm.s32 $0x1;
	s0 =	stileid.u32;
	s8 =	smul.u32 $0x140000, s5  }
0x6: {  	s16 =	simm.s32 $0x2800;
	s17 =	simm.s32 $0x80;
	s9 =	smul.u32 $0x14000, s0  }
0x7: {  	[smem:$0x7FF] =	sst s4;
	s2 =	sshll.u32 s5, $0x4;
	s10 =	smul.u32 $0x50000, s0  }
0x8: {  	s5 =	ssub.s32 $0x2, s5;
	s18 =	sshll.u32 s0, $0x6;
	s2 =	sor.u32 s0, s2  }
0x9: {  	s31 =	sshrl.u32 s5, $0x1;
	s18 =	sor.u32 $0x1C01, s18;
	s7 =	smul.u32 $0x500, s2  }
0xa: {  	s2 =	rddreg [dreg:$0x3];
	_ =	strace $0x80000050;
	s8 =	sadd.s32 s9, s8  }
0xb: {  	s10 =	sshrl.u32 s10, $0x2;
	s9 =	ssub.s32 s5, s31;
	s8 =	sshrl.u32 s8, $0x3  }
0xc: {  	s5 =	sadd.s32 s10, s3;
	s9 =	smax.u32 s9, $0x1;
	s7 =	sadd.s32 s7, s6  }
0xd: {  	s8 =	sadd.s32 s8, s6;
	s10 =	sadd.s32 $0x4000, s5;
	s11 =	sadd.s32 $0x8000, s5  }
0xe: {  	s12 =	sadd.s32 $0xC000, s5;
	s13 =	sadd.s32 $0x10000, s5;
	s19 =	sshrl.u32 s5, $0x3  }
0xf: {  	v0 =	vimm.f32 $0.0e+00;
	s6 =	sadd.s32 $0x5EC00, s7;
	s7 =	sadd.s32 $0x4C00, s7;
	s8 =	sadd.s32 $0xEC00, s8  }
.LBB2_1:
0x10: {  	s20 =	simm.s32 $0x0;
	s21 =	simm.s32 $0x200  }
.LBB2_2:
0x11: {  	p0 =	sne.s32 s21, $0xFE00;
	[tilespmem:s20+$0x5070] =	vst v0  }
0x12: {  	[tilespmem:s20+$0x5000] =	vst v0  }
0x13: {  	[tilespmem:s20+$0x5010] =	vst v0  }
.Ltmp0:
0x14: {  	[tilespmem:s20+$0x5020] =	vst v0;
	(pc) =	sbr.rel @p0 .LBB2_2-.Ltmp0, $4  }
0x15: {  	[tilespmem:s20+$0x5030] =	vst v0  }
0x16: {  	[tilespmem:s20+$0x5040] =	vst v0  }
0x17: {  	[tilespmem:s20+$0x5050] =	vst v0  }
0x18: {  	[tilespmem:s20+$0x5060] =	vst v0;
	s20 =	sshra.s32 s21, $0x2;
	s21 =	sadd.s32 $0x200, s21  }
0x19: {  	[tilespmem:s20+$0x5070] =	vst v0  }
0x1a: {  	[tilespmem:s20+$0x5000] =	vst v0  }
0x1b: {  	[tilespmem:s20+$0x5010] =	vst v0  }
0x1c: {  	[tilespmem:s20+$0x5020] =	vst v0  }
0x1d: {  	[tilespmem:s20+$0x5030] =	vst v0  }
0x1e: {  	[tilespmem:s20+$0x5040] =	vst v0  }
0x1f: {  	[tilespmem:s20+$0x5050] =	vst v0  }
0x20: {  	[tilespmem:s20+$0x5060] =	vst v0  }
0x21: {  	[spmem:s5] =	stream.linear.scatter [tilespmem:s14], [sflag:$0x1], $0x4000, $0x38;
	[tilespmem:$0x1D000] =	vst v63  }
0x22: {  	_ =	swait.ge [sflag:s15], $0x4000  }
0x23: {  	[sflag:s15] =	ssyncset.done $0x0  }
0x24: {  	[sflag:s15] =	ssyncadd.s32 $0xFFFFC000  }
0x25: {  	[spmem:s10] =	stream.linear.scatter [tilespmem:s14], [sflag:$0x1], $0x4000, $0x38;
	[tilespmem:$0x1D000] =	vst v63  }
0x26: {  	_ =	swait.ge [sflag:s15], $0x4000  }
0x27: {  	[sflag:s15] =	ssyncset.done $0x0  }
0x28: {  	[sflag:s15] =	ssyncadd.s32 $0xFFFFC000  }
0x29: {  	[spmem:s11] =	stream.linear.scatter [tilespmem:s14], [sflag:$0x1], $0x4000, $0x38;
	[tilespmem:$0x1D000] =	vst v63  }
0x2a: {  	_ =	swait.ge [sflag:s15], $0x4000  }
0x2b: {  	[sflag:s15] =	ssyncset.done $0x0  }
0x2c: {  	[sflag:s15] =	ssyncadd.s32 $0xFFFFC000  }
0x2d: {  	[spmem:s12] =	stream.linear.scatter [tilespmem:s14], [sflag:$0x1], $0x4000, $0x38;
	[tilespmem:$0x1D000] =	vst v63  }
0x2e: {  	_ =	swait.ge [sflag:s15], $0x4000  }
0x2f: {  	[sflag:s15] =	ssyncset.done $0x0  }
0x30: {  	[sflag:s15] =	ssyncadd.s32 $0xFFFFC000  }
0x31: {  	[spmem:s13] =	stream.linear.scatter [tilespmem:s14], [sflag:$0x1], $0x4000, $0x38;
	[tilespmem:$0x1D000] =	vst v63  }
0x32: {  	_ =	swait.ge [sflag:s15], $0x4000  }
0x33: {  	[sflag:s15] =	ssyncset.done $0x0  }
0x34: {  	[sflag:s15] =	ssyncadd.s32 $0xFFFFC000  }
0x35: {  	s29 =	simm.s32 $0x0;
	[bflag:$0x0] =	sbarrier.arrive $0xFFFF  }
0x36: {  	[tilespmem:s29], [sflag:$0x1] =	stream.linear.gather [hbm4b:s6+s29], $0x2780, $0x38;
	[tilespmem:$0x1D000] =	vst v63  }
0x37: {  	_ =	swait.ge [sflag:s15], $0x2780  }
0x38: {  	[sflag:s15] =	ssyncset.done $0x0  }
0x39: {  	[sflag:s15] =	ssyncadd.s32 $0xFFFFD880  }
0x3a: {  	[tilespmem:s16], [sflag:$0x1] =	stream.linear.gather [hbm4b:s7+s29], $0x2780, $0x38;
	[tilespmem:$0x1D000] =	vst v63  }
0x3b: {  	_ =	swait.ge [sflag:s15], $0x2780  }
0x3c: {  	[sflag:s15] =	ssyncset.done $0x0  }
0x3d: {  	s30 =	simm.s32 $0x0;
	[sflag:s15] =	ssyncadd.s32 $0xFFFFD880  }
0x3e: {  	[tilespmem:s14], [sflag:$0x1] =	stream.indirect.gather [hbm4b:s1+s17], $0x80, s30, s17, $0xb8;
	[tilespmem:$0x1D000] =	vst v63  }
0x3f: {  	_ =	swait.ge [sflag:s15], $0x4000  }
0x40: {  	[sflag:s15] =	ssyncset.done $0x0  }
0x41: {  	s31 =	simm.s32 $0x2800;
	[sflag:s15] =	ssyncadd.s32 $0xFFFFC000  }
0x42: {  	[spmem:s3] =	stream.indirect.scatter.add.f32 [tilespmem:s14], [sflag:$0x1], $0x80, s31, s17, $0xb8;
	[tilespmem:$0x1D000] =	vst v63  }
0x43: {  	_ =	swait.ge [sflag:s15], $0x4000  }
0x44: {  	s20 =	simm.s32 $0x200;
	s21 =	simm.s32 $0x400;
	[sflag:s15] =	ssyncset.done $0x0  }
.LBB2_4:
0x45: {  	s22 =	sshra.s32 s20, $0x2  }
0x46: {  	[sflag:s15] =	ssyncadd.s32 $0xFFFFC000;
	s20 =	smov.u32 s21;
	s23 =	sadd.s32 $0x200, s21  }
0x47: {  	[tilespmem:s14], [sflag:$0x1] =	stream.indirect.gather [hbm4b:s1+s17], $0x80, s22, s17, $0xb8;
	[tilespmem:$0x1D000] =	vst v63  }
0x48: {  	p0 =	sne.s32 s21, $0x9C00;
	_ =	swait.ge [sflag:s15], $0x4000  }
.Ltmp1:
0x49: {  	[sflag:s15] =	ssyncset.done $0x0;
	(pc) =	sbr.rel @p0 .LBB2_4-.Ltmp1, $4  }
0x4a: {  	s21 =	sadd.s32 $0x2800, s22;
	[sflag:s15] =	ssyncadd.s32 $0xFFFFC000  }
0x4b: {  	[spmem:s3] =	stream.indirect.scatter.add.f32 [tilespmem:s14], [sflag:$0x1], $0x80, s21, s17, $0xb8;
	[tilespmem:$0x1D000] =	vst v63  }
0x4c: {  	_ =	swait.ge [sflag:s15], $0x4000  }
0x4d: {  	s21 =	smov.u32 s23;
	[sflag:s15] =	ssyncset.done $0x0  }
0x4e: {  	s20 =	sshra.s32 s20, $0x2;
	[sflag:s15] =	ssyncadd.s32 $0xFFFFC000  }
0x4f: {  	[tilespmem:s14], [sflag:$0x1] =	stream.indirect.gather [hbm4b:s1+s17], $0x80, s20, s17, $0xb8;
	[tilespmem:$0x1D000] =	vst v63  }
0x50: {  	_ =	swait.ge [sflag:s15], $0x4000  }
0x51: {  	[sflag:s15] =	ssyncset.done $0x0  }
0x52: {  	s20 =	sadd.s32 $0x2800, s20;
	[sflag:s15] =	ssyncadd.s32 $0xFFFFC000  }
0x53: {  	[spmem:s3] =	stream.indirect.scatter.add.f32 [tilespmem:s14], [sflag:$0x1], $0x80, s20, s17, $0xb8;
	[tilespmem:$0x1D000] =	vst v63  }
0x54: {  	_ =	swait.ge [sflag:s15], $0x4000  }
0x55: {  	s4 =	sadd.s32 $0x1, s4;
	[sflag:s15] =	ssyncset.done $0x0  }
0x56: {  	p0 =	sne.s32 s4, s9;
	[sflag:s15] =	ssyncadd.s32 $0xFFFFC000  }
.Ltmp2:
0x57: {  	[bflag:$0x0] =	sbarrier.arrive $0xFFFF;
	(pc) =	sbr.rel @p0 .LBB2_1-.Ltmp2, $4  }
0x58: {  	[hbm:s8], [sflag:s18] =	dma.local [spmem:s19], $0x2800  }
0x59: {  	_ =	swait.ge [sflag:s15], $0x2800  }
0x5a: {  	[sflag:s15] =	ssyncset.done $0x0  }
0x5b: {  	[sflag:s15] =	ssyncadd.s32 $0xFFFFD800  }
0x5c: {  	_ =	sfence.sel $0x180000  }
0x5d: {  	[bflag:$0x0] =	sbarrier.arrive $0xFFFF  }
0x5e: {  	p0 =	sne.s32 s0, $0x0;
	_ =	strace $0x90000050  }
0x5f: {  	s0 =	sadd.s32 @!p0 $0x100000, s2;
	[bflag:$0x2] =	sbarrier.arrive $0xFFFF  }
0x60: {  	[sflag:s0] =	ssyncadd.tile.s32 @!p0 $0x1;
	_ =	shalt  }
.Lfunc_end2:
_tile_overlayer_lowered:
.L_overlay_start_2:
0x61: {  	(tag) =	ssettag $0x2  }
0x62: {  	s0 =	rddreg [dreg:$0x0];
	s2 =	stileid.u32  }
0x63: {  	s1 =	rddreg [dreg:$0x1];
	p0 =	sne.s32 s2, $0x0  }
0x64: {  	s3 =	rddreg [dreg:$0x2];
	[bflag:$0x3] =	sbarrier.arrive $0xFFFF;
	s2 =	simm.s32 @!p0 $0x1C01  }
0x65: {  	[timem:s3], [sflag:s2] =	dma.local @!p0 [hbm:s0], s1  }
0x66: {  	s0 =	simm.s32 @!p0 $0x1  }
0x67: {  	_ =	swait.ge @!p0 [sflag:s0], s1  }
0x68: {  	s1 =	ssub.s32 @!p0 $0x0, s1;
	[sflag:s0] =	ssyncset.done @!p0 $0x0  }
0x69: {  	[sflag:s0] =	ssyncadd.s32 @!p0 s1  }
0x6a: {  	[bflag:$0x3] =	sbarrier.arrive $0xFFFF  }
0x6b: {  	_ =	shalt  }

</sc_bundles>
